<compile_context>
chip_gen: v7x
topology: tpu7x:2x2x1
jax: 0.10.2.dev20260603
libtpu: 0.0.44.dev20260713+nightly
codegen_flags: <defaults>
</compile_context>

<pallas_src>
import functools

import jax
import jax.numpy as jnp
from jax import lax
from jax.experimental import pallas as pl
from jax.experimental.pallas import tpu as pltpu
from jax.experimental.pallas import tpu_sc as plsc

N = 10000
E = 160000
D_IN = 256
DIM = 128
OUT = 64

N_PAD = 10240
E_PAD = 163840
IROWS = E_PAD // 128
IROWS_PAD = IROWS + 32
NC, NS = 2, 16
ROWS_W = IROWS // (NC * NS)
ROWS_DEG = IROWS // NS
NROWS_T = N_PAD // NS
ROWS_S0 = 72
ROWS_S1 = 8
PASS = 40


def _tc0_body(f_ref, w_ref, q_ref, p_ref):
    fw = jnp.dot(f_ref[...], w_ref[...], preferred_element_type=jnp.float32)
    q_ref[:N, :] = fw[:, :DIM]
    p_ref[:N, :] = fw[:, DIM:]
    zpad = jnp.zeros((N_PAD - N, DIM), jnp.float32)
    q_ref[N:, :] = zpad
    p_ref[N:, :] = zpad


def _tc0(features, w_cat):
    return pl.pallas_call(
        _tc0_body,
        out_shape=(
            jax.ShapeDtypeStruct((N_PAD, DIM), jnp.float32),
            jax.ShapeDtypeStruct((N_PAD, DIM), jnp.float32),
        ),
    )(features, w_cat)


def _sca_body(src_hbm, dst_hbm, p_hbm, z1_hbm, z2_hbm,
              s_out, deg_out,
              stage_src, stage_dst, ones, degw, buf0, buf1,
              s_sh, deg_sh, sem_g0, sem_g1, sem_s0, sem_s1):
    cid = lax.axis_index("c")
    sid = lax.axis_index("s")
    wid = cid * NS + sid

    with jax.named_scope("zero_phase"):
        pltpu.sync_copy(z2_hbm, s_sh.at[pl.ds(sid * NROWS_T, NROWS_T)])

        @pl.when(cid == 1)
        def _():
            pltpu.sync_copy(z1_hbm.at[pl.ds(sid * NROWS_T, NROWS_T)],
                            deg_sh.at[pl.ds(sid * NROWS_T, NROWS_T)])
            for g in range(8):
                ones[pl.ds(g * 16, 16)] = jnp.ones((16,), jnp.float32)
        plsc.subcore_barrier()

    def deg_body(t, carry):
        pltpu.sync_copy(dst_hbm.at[pl.ds(sid * ROWS_DEG + t * 8, 8)],
                        stage_dst.at[pl.ds(0, 8)])
        for k in range(8):
            pltpu.sync_copy(ones, deg_sh.at[stage_dst.at[k]], add=True)
        return carry
    with jax.named_scope("deg_phase"):
        @pl.when(cid == 1)
        def _():
            lax.fori_loop(0, ROWS_DEG // 8, deg_body, 0)

    def _wait_g(buf, sem):
        pltpu.make_async_copy(p_hbm.at[stage_src.at[0]], buf, sem).wait()

    def _wait_s(buf, sem):
        pltpu.make_async_copy(buf, s_sh.at[stage_dst.at[0]], sem).wait()

    is0 = cid == 0
    nrows = jnp.where(is0, ROWS_S0, ROWS_S1)
    rbase = jnp.where(is0, sid * ROWS_S0, NS * ROWS_S0 + sid * ROWS_S1)

    def pass_body(p, carry):
        base_p = rbase + p * PASS
        trip = jnp.minimum(nrows - p * PASS, PASS) // 2
        pltpu.sync_copy(src_hbm.at[pl.ds(base_p, PASS)], stage_src)
        pltpu.sync_copy(dst_hbm.at[pl.ds(base_p, PASS)], stage_dst)
        pltpu.async_copy(p_hbm.at[stage_src.at[0]], buf0, sem_g0)
        pltpu.async_copy(p_hbm.at[stage_src.at[1]], buf1, sem_g1)

        def s_body(t, carry2):
            q0 = 2 * t
            _wait_g(buf0, sem_g0)
            pltpu.async_copy(buf0, s_sh.at[stage_dst.at[q0]], sem_s0, add=True)
            _wait_g(buf1, sem_g1)
            pltpu.async_copy(buf1, s_sh.at[stage_dst.at[q0 + 1]], sem_s1,
                             add=True)

            @pl.when(t < trip - 1)
            def _():
                _wait_s(buf0, sem_s0)
                pltpu.async_copy(p_hbm.at[stage_src.at[q0 + 2]], buf0, sem_g0)
                _wait_s(buf1, sem_s1)
                pltpu.async_copy(p_hbm.at[stage_src.at[q0 + 3]], buf1, sem_g1)

            @pl.when(t == trip - 1)
            def _():
                _wait_s(buf0, sem_s0)
                _wait_s(buf1, sem_s1)
            return carry2
        lax.fori_loop(0, trip, s_body, 0)
        return carry

    with jax.named_scope("s_phase"):
        lax.fori_loop(0, (nrows + PASS - 1) // PASS, pass_body, 0)
        plsc.subcore_barrier()

    def w_body(t, carry):
        base = sid * NROWS_T + t * 128
        pltpu.sync_copy(s_sh.at[pl.ds(base, 128)], buf0)
        pltpu.sync_copy(buf0, s_out.at[cid, pl.ds(base, 128)])
        return carry
    with jax.named_scope("write_phase"):
        lax.fori_loop(0, NROWS_T // 128, w_body, 0)

        @pl.when(cid == 1)
        def _():
            pltpu.sync_copy(deg_sh.at[pl.ds(sid * NROWS_T, NROWS_T)], degw)
            pltpu.sync_copy(degw, deg_out.at[pl.ds(sid * NROWS_T, NROWS_T)])


def _sc_a(src_rows, dst_rows, p_pad, z1, z2):
    mesh = plsc.VectorSubcoreMesh(core_axis_name="c", subcore_axis_name="s")
    fn = functools.partial(
        pl.kernel,
        mesh=mesh,
        compiler_params=pltpu.CompilerParams(needs_layout_passes=False),
        out_type=[
            jax.ShapeDtypeStruct((NC, N_PAD, DIM), jnp.float32),
            jax.ShapeDtypeStruct((N_PAD,), jnp.float32),
        ],
        scratch_types=[
            pltpu.VMEM((PASS, 128), jnp.int32),
            pltpu.VMEM((PASS, 128), jnp.int32),
            pltpu.VMEM((128,), jnp.float32),
            pltpu.VMEM((NROWS_T,), jnp.float32),
            pltpu.VMEM((128, DIM), jnp.float32),
            pltpu.VMEM((128, DIM), jnp.float32),
            pltpu.VMEM_SHARED((N_PAD, DIM), jnp.float32),
            pltpu.VMEM_SHARED((N_PAD,), jnp.float32),
            pltpu.SemaphoreType.DMA,
            pltpu.SemaphoreType.DMA,
            pltpu.SemaphoreType.DMA,
            pltpu.SemaphoreType.DMA,
        ],
    )(_sca_body)
    return fn(src_rows, dst_rows, p_pad, z1, z2)


def _scb_body(src_hbm, dst_hbm, deg_hbm, z1_hbm, c_out,
              stage_src, stage_dst, deg_l, c_l):
    cid = lax.axis_index("c")
    sid = lax.axis_index("s")
    wid = cid * NS + sid

    pltpu.sync_copy(z1_hbm, c_l)
    pltpu.sync_copy(deg_hbm, deg_l)
    pltpu.sync_copy(src_hbm.at[pl.ds(wid * ROWS_W, ROWS_W)], stage_src)
    pltpu.sync_copy(dst_hbm.at[pl.ds(wid * ROWS_W, ROWS_W)], stage_dst)

    def c_body(k, carry):
        for g in range(8):
            d16 = stage_dst[k, pl.ds(g * 16, 16)]
            s16 = stage_src[k, pl.ds(g * 16, 16)]
            degv = plsc.load_gather(deg_l, [d16])
            w = 1.0 / jnp.maximum(degv, 1.0)
            plsc.addupdate_scatter(c_l, [s16], w)
        return carry
    with jax.named_scope("c_phase"):
        lax.fori_loop(0, ROWS_W, c_body, 0)
    pltpu.sync_copy(c_l, c_out.at[wid])


def _sc_b(src_rows, dst_rows, deg, z1):
    mesh = plsc.VectorSubcoreMesh(core_axis_name="c", subcore_axis_name="s")
    fn = functools.partial(
        pl.kernel,
        mesh=mesh,
        compiler_params=pltpu.CompilerParams(needs_layout_passes=False),
        out_type=[
            jax.ShapeDtypeStruct((NC * NS, N_PAD), jnp.float32),
        ],
        scratch_types=[
            pltpu.VMEM((ROWS_W, 128), jnp.int32),
            pltpu.VMEM((ROWS_W, 128), jnp.int32),
            pltpu.VMEM((N_PAD,), jnp.float32),
            pltpu.VMEM((N_PAD,), jnp.float32),
        ],
    )(_scb_body)
    return fn(src_rows, dst_rows, deg, z1)[0]


def _dot_t(a, b):
    return lax.dot_general(a, b, (((1,), (1,)), ((), ())),
                           preferred_element_type=jnp.float32)


def _tc1_body(q_ref, s_ref, dcol_ref, c_ref, ws2_ref, wn2_ref, wfc1_ref, o_ref):
    s_sum = s_ref[0] + s_ref[1]
    r = 1.0 / jnp.maximum(dcol_ref[...], 1.0)
    x = jnp.maximum(q_ref[...] + s_sum * r, 0.0)
    row = lax.broadcasted_iota(jnp.int32, (N_PAD, 1), 0)
    x = jnp.where(row < N, x, 0.0)
    m1 = jnp.sum(x, axis=0, keepdims=True) * (1.0 / N)
    c2 = jnp.sum(c_ref[...], axis=0, keepdims=True)
    m2 = jnp.dot(c2, x, preferred_element_type=jnp.float32) * (1.0 / N)
    g2 = _dot_t(m1, ws2_ref[...]) + _dot_t(m2, wn2_ref[...])
    o_ref[...] = jax.nn.sigmoid(_dot_t(g2, wfc1_ref[...]))


def _tc1(q_pad, s_part, deg_col, c_part, w_self2, w_neigh2, w_fc1):
    return pl.pallas_call(
        _tc1_body,
        out_shape=jax.ShapeDtypeStruct((1, OUT), jnp.float32),
    )(q_pad, s_part, deg_col, c_part, w_self2, w_neigh2, w_fc1)


def kernel(features, edge_index, W_self1, W_neigh1, W_self2, W_neigh2, W_fc1):
    pad = jnp.full((IROWS_PAD * 128 - E,), N, jnp.int32)
    src_rows = jnp.concatenate([edge_index[0], pad]).reshape(IROWS_PAD, 128)
    dst_rows = jnp.concatenate([edge_index[1], pad]).reshape(IROWS_PAD, 128)
    w_cat = jnp.concatenate([W_self1.T, W_neigh1.T], axis=1)
    z1 = jnp.zeros((N_PAD,), jnp.float32)
    z2 = jnp.zeros((NROWS_T, DIM), jnp.float32)

    q_pad, p_pad = _tc0(features, w_cat)
    s_part, deg = _sc_a(src_rows, dst_rows, p_pad, z1, z2)
    c_part = _sc_b(src_rows, dst_rows, deg, z1)
    deg_col = deg[:, None]
    return _tc1(q_pad, s_part, deg_col, c_part, W_self2, W_neigh2, W_fc1)

# --- scband reference (transcript-rebuilt; emitter-appended) ---
"""Pipeline reference for scband-net-graph-sage-44186623541947 (READ-ONLY COPY).

The authoritative reference and input builder live on the scoring server;
editing this copy changes nothing except your own understanding.
"""

import jax, jax.numpy as jnp
import numpy as np

N = 10000
E = 160000
D_IN = 256
DIM = 128
OUT = 64


def setup_inputs(seed: int = 0) -> dict:
    key = jax.random.key(seed)
    ks = jax.random.split(key, 8)
    features = jax.random.normal(ks[0], (N, D_IN), dtype=jnp.float32)
    edge_index = jax.random.randint(ks[1], (2, E), 0, N, dtype=jnp.int32)
    # DGL SAGEConv (mean aggregator, bias=False) has fc_self and fc_neigh.
    W_self1 = jax.random.normal(ks[2], (DIM, D_IN), dtype=jnp.float32) * 0.05
    W_neigh1 = jax.random.normal(ks[3], (DIM, D_IN), dtype=jnp.float32) * 0.05
    W_self2 = jax.random.normal(ks[4], (DIM, DIM), dtype=jnp.float32) * 0.05
    W_neigh2 = jax.random.normal(ks[5], (DIM, DIM), dtype=jnp.float32) * 0.05
    W_fc1 = jax.random.normal(ks[6], (OUT, DIM), dtype=jnp.float32) * 0.05
    return {
        "features": features,
        "edge_index": edge_index,
        "W_self1": W_self1,
        "W_neigh1": W_neigh1,
        "W_self2": W_self2,
        "W_neigh2": W_neigh2,
        "W_fc1": W_fc1,
    }


def _sage_mean(h, src, dst, W_self, W_neigh):
    # mean aggregation over in-neighbors (messages flow src -> dst)
    msg_sum = jax.ops.segment_sum(h[src], dst, num_segments=N)
    deg = jax.ops.segment_sum(jnp.ones((E,), dtype=h.dtype), dst, num_segments=N)
    h_neigh = msg_sum / jnp.clip(deg, 1.0)[:, None]
    return h @ W_self.T + h_neigh @ W_neigh.T


def reference(features, edge_index, W_self1, W_neigh1, W_self2, W_neigh2, W_fc1):
    src = edge_index[0]
    dst = edge_index[1]
    x = jax.nn.relu(_sage_mean(features, src, dst, W_self1, W_neigh1))
    x = _sage_mean(x, src, dst, W_self2, W_neigh2)
    # dgl.mean_nodes on a single (unbatched) graph -> mean over all nodes, shape [1, DIM]
    g = jnp.mean(x, axis=0, keepdims=True)
    out = g @ W_fc1.T
    return jax.nn.sigmoid(out)

if __name__ == "__main__":
    import jax
    _d = setup_inputs()
    print(jax.jit(kernel)(*tuple(_d.values())))

</pallas_src>

<mosaic_0001>
#map = affine_map<(d0, d1) -> (0, 0)>
#map1 = affine_map<(d0, d1) -> (0)>
#map2 = affine_map<(d0, d1) -> (0, 0, 0)>
module attributes {stable_mosaic.version = 14 : i64} {
  func.func @_sca_body(%arg0: i32, %arg1: i32, %arg2: memref<1312x128xi32, #tpu.memory_space<hbm>>, %arg3: memref<1312x128xi32, #tpu.memory_space<hbm>>, %arg4: memref<10240x128xf32, #tpu.memory_space<hbm>>, %arg5: memref<10240xf32, #tpu.memory_space<hbm>>, %arg6: memref<640x128xf32, #tpu.memory_space<hbm>>, %arg7: memref<2x10240x128xf32, #tpu.memory_space<hbm>>, %arg8: memref<10240xf32, #tpu.memory_space<hbm>>, %arg9: memref<40x128xi32, #tpu.memory_space<vmem>>, %arg10: memref<40x128xi32, #tpu.memory_space<vmem>>, %arg11: memref<128xf32, #tpu.memory_space<vmem>>, %arg12: memref<640xf32, #tpu.memory_space<vmem>>, %arg13: memref<128x128xf32, #tpu.memory_space<vmem>>, %arg14: memref<128x128xf32, #tpu.memory_space<vmem>>, %arg15: memref<10240x128xf32, #tpu.memory_space<vmem_shared>>, %arg16: memref<10240xf32, #tpu.memory_space<vmem_shared>>, %arg17: memref<!tpu.dma_semaphore, #tpu.memory_space<semaphore_mem>>, %arg18: memref<!tpu.dma_semaphore, #tpu.memory_space<semaphore_mem>>, %arg19: memref<!tpu.dma_semaphore, #tpu.memory_space<semaphore_mem>>, %arg20: memref<!tpu.dma_semaphore, #tpu.memory_space<semaphore_mem>>) attributes {dimension_semantics = [#tpu.dimension_semantics<core_parallel>, #tpu.dimension_semantics<subcore_parallel>], iteration_bounds = array<i64: 2, 16>, scalar_prefetch = 0 : i64, scratch_operands = 12 : i64, tpu.core_type = #tpu.core_type<sc_vector_subcore>, window_params = [{transform_indices = #map}, {transform_indices = #map}, {transform_indices = #map}, {transform_indices = #map1}, {transform_indices = #map}, {transform_indices = #map2}, {transform_indices = #map1}]} {
    %mul3A = arith.constant 16 : i32
    %mul3A_0 = arith.muli %arg0, %mul3A : i32
    %add3A = arith.addi %mul3A_0, %arg1 : i32
    "tpu.trace_start"() <{level = 10 : i32, message = "zero_phase"}> : () -> ()
    %mul3A_1 = arith.constant 640 : i32
    %mul3A_2 = arith.muli %arg1, %mul3A_1 : i32
    "tpu.region"() ({
      %run_scoped3A = tpu.sem_alloc : memref<!tpu.dma_semaphore, #tpu.memory_space<semaphore_mem>>
      %dma_start3A = arith.constant 0 : i32
      %dma_start3A_62 = tpu.memref_slice %arg15[%mul3A_2, %dma_start3A] : memref<10240x128xf32, #tpu.memory_space<vmem_shared>> -> memref<640x128xf32, #tpu.memory_space<vmem_shared>>
      tpu.enqueue_dma source(%arg6 : memref<640x128xf32, #tpu.memory_space<hbm>>) target(%dma_start3A_62 : memref<640x128xf32, #tpu.memory_space<vmem_shared>>) target_semaphore(%run_scoped3A : memref<!tpu.dma_semaphore, #tpu.memory_space<semaphore_mem>>)
      %dma_wait3A = arith.constant 0 : i32
      %dma_wait3A_63 = tpu.memref_slice %arg15[%mul3A_2, %dma_wait3A] : memref<10240x128xf32, #tpu.memory_space<vmem_shared>> -> memref<640x128xf32, #tpu.memory_space<vmem_shared>>
      tpu.wait_dma2 semaphore(%run_scoped3A : memref<!tpu.dma_semaphore, #tpu.memory_space<semaphore_mem>>) src(%arg6 : memref<640x128xf32, #tpu.memory_space<hbm>>) dst(%dma_wait3A_63 : memref<640x128xf32, #tpu.memory_space<vmem_shared>>)
      tpu.yield
    }) : () -> ()
    %eq3A = arith.constant 1 : i32
    %eq3A_3 = arith.cmpi eq, %arg0, %eq3A : i32
    %convert_element_type3A = arith.extui %eq3A_3 : i1 to i32
    %cond3A = arith.constant 0 : i32
    %cond3A_4 = arith.cmpi ne, %convert_element_type3A, %cond3A : i32
    scf.if %cond3A_4 {
      %mul3A_62 = arith.constant 640 : i32
      %mul3A_63 = arith.muli %arg1, %mul3A_62 : i32
      %mul3A_64 = arith.constant 640 : i32
      %mul3A_65 = arith.muli %arg1, %mul3A_64 : i32
      "tpu.region"() ({
        %run_scoped3A = tpu.sem_alloc : memref<!tpu.dma_semaphore, #tpu.memory_space<semaphore_mem>>
        %dma_start3A = tpu.memref_slice %arg16[%mul3A_65] : memref<10240xf32, #tpu.memory_space<vmem_shared>> -> memref<640xf32, #tpu.memory_space<vmem_shared>>
        %dma_start3A_96 = tpu.memref_slice %arg5[%mul3A_63] : memref<10240xf32, #tpu.memory_space<hbm>> -> memref<640xf32, #tpu.memory_space<hbm>>
        tpu.enqueue_dma source(%dma_start3A_96 : memref<640xf32, #tpu.memory_space<hbm>>) target(%dma_start3A : memref<640xf32, #tpu.memory_space<vmem_shared>>) target_semaphore(%run_scoped3A : memref<!tpu.dma_semaphore, #tpu.memory_space<semaphore_mem>>)
        %dma_wait3A = tpu.memref_slice %arg16[%mul3A_65] : memref<10240xf32, #tpu.memory_space<vmem_shared>> -> memref<640xf32, #tpu.memory_space<vmem_shared>>
        %dma_wait3A_97 = tpu.memref_slice %arg5[%mul3A_63] : memref<10240xf32, #tpu.memory_space<hbm>> -> memref<640xf32, #tpu.memory_space<hbm>>
        tpu.wait_dma2 semaphore(%run_scoped3A : memref<!tpu.dma_semaphore, #tpu.memory_space<semaphore_mem>>) src(%dma_wait3A_97 : memref<640xf32, #tpu.memory_space<hbm>>) dst(%dma_wait3A : memref<640xf32, #tpu.memory_space<vmem_shared>>)
        tpu.yield
      }) : () -> ()
      %broadcast_in_dim3A = arith.constant 1.000000e+00 : f32
      %broadcast_in_dim3A_66 = vector.broadcast %broadcast_in_dim3A : f32 to vector<16xf32>
      %swap3A = arith.constant 0 : index
      %swap3A_67 = tpu.vector_load %arg11[%swap3A] {strides = array<i32>} : memref<128xf32, #tpu.memory_space<vmem>>, vector<16xf32>,
      tpu.vector_store %arg11[%swap3A], %broadcast_in_dim3A_66 {strides = array<i32>} : memref<128xf32, #tpu.memory_space<vmem>>, vector<16xf32>,
      %broadcast_in_dim3A_68 = arith.constant 1.000000e+00 : f32
      %broadcast_in_dim3A_69 = vector.broadcast %broadcast_in_dim3A_68 : f32 to vector<16xf32>
      %swap3A_70 = arith.constant 16 : index
      %swap3A_71 = tpu.vector_load %arg11[%swap3A_70] {strides = array<i32>} : memref<128xf32, #tpu.memory_space<vmem>>, vector<16xf32>,
      tpu.vector_store %arg11[%swap3A_70], %broadcast_in_dim3A_69 {strides = array<i32>} : memref<128xf32, #tpu.memory_space<vmem>>, vector<16xf32>,
      %broadcast_in_dim3A_72 = arith.constant 1.000000e+00 : f32
      %broadcast_in_dim3A_73 = vector.broadcast %broadcast_in_dim3A_72 : f32 to vector<16xf32>
      %swap3A_74 = arith.constant 32 : index
      %swap3A_75 = tpu.vector_load %arg11[%swap3A_74] {strides = array<i32>} : memref<128xf32, #tpu.memory_space<vmem>>, vector<16xf32>,
      tpu.vector_store %arg11[%swap3A_74], %broadcast_in_dim3A_73 {strides = array<i32>} : memref<128xf32, #tpu.memory_space<vmem>>, vector<16xf32>,
      %broadcast_in_dim3A_76 = arith.constant 1.000000e+00 : f32
      %broadcast_in_dim3A_77 = vector.broadcast %broadcast_in_dim3A_76 : f32 to vector<16xf32>
      %swap3A_78 = arith.constant 48 : index
      %swap3A_79 = tpu.vector_load %arg11[%swap3A_78] {strides = array<i32>} : memref<128xf32, #tpu.memory_space<vmem>>, vector<16xf32>,
      tpu.vector_store %arg11[%swap3A_78], %broadcast_in_dim3A_77 {strides = array<i32>} : memref<128xf32, #tpu.memory_space<vmem>>, vector<16xf32>,
      %broadcast_in_dim3A_80 = arith.constant 1.000000e+00 : f32
      %broadcast_in_dim3A_81 = vector.broadcast %broadcast_in_dim3A_80 : f32 to vector<16xf32>
      %swap3A_82 = arith.constant 64 : index
      %swap3A_83 = tpu.vector_load %arg11[%swap3A_82] {strides = array<i32>} : memref<128xf32, #tpu.memory_space<vmem>>, vector<16xf32>,
      tpu.vector_store %arg11[%swap3A_82], %broadcast_in_dim3A_81 {strides = array<i32>} : memref<128xf32, #tpu.memory_space<vmem>>, vector<16xf32>,
      %broadcast_in_dim3A_84 = arith.constant 1.000000e+00 : f32
      %broadcast_in_dim3A_85 = vector.broadcast %broadcast_in_dim3A_84 : f32 to vector<16xf32>
      %swap3A_86 = arith.constant 80 : index
      %swap3A_87 = tpu.vector_load %arg11[%swap3A_86] {strides = array<i32>} : memref<128xf32, #tpu.memory_space<vmem>>, vector<16xf32>,
      tpu.vector_store %arg11[%swap3A_86], %broadcast_in_dim3A_85 {strides = array<i32>} : memref<128xf32, #tpu.memory_space<vmem>>, vector<16xf32>,
      %broadcast_in_dim3A_88 = arith.constant 1.000000e+00 : f32
      %broadcast_in_dim3A_89 = vector.broadcast %broadcast_in_dim3A_88 : f32 to vector<16xf32>
      %swap3A_90 = arith.constant 96 : index
      %swap3A_91 = tpu.vector_load %arg11[%swap3A_90] {strides = array<i32>} : memref<128xf32, #tpu.memory_space<vmem>>, vector<16xf32>,
      tpu.vector_store %arg11[%swap3A_90], %broadcast_in_dim3A_89 {strides = array<i32>} : memref<128xf32, #tpu.memory_space<vmem>>, vector<16xf32>,
      %broadcast_in_dim3A_92 = arith.constant 1.000000e+00 : f32
      %broadcast_in_dim3A_93 = vector.broadcast %broadcast_in_dim3A_92 : f32 to vector<16xf32>
      %swap3A_94 = arith.constant 112 : index
      %swap3A_95 = tpu.vector_load %arg11[%swap3A_94] {strides = array<i32>} : memref<128xf32, #tpu.memory_space<vmem>>, vector<16xf32>,
      tpu.vector_store %arg11[%swap3A_94], %broadcast_in_dim3A_93 {strides = array<i32>} : memref<128xf32, #tpu.memory_space<vmem>>, vector<16xf32>,
    } else {
    }
    %barrier3A = arith.constant 0 : index
    tpu.barrier barrier_id(%barrier3A)
    %eq3A_5 = arith.constant 1 : i32
    "tpu.trace_stop"() : () -> ()
    "tpu.trace_start"() <{level = 10 : i32, message = "deg_phase"}> : () -> ()
    %eq3A_6 = arith.cmpi eq, %arg0, %eq3A_5 : i32
    %convert_element_type3A_7 = arith.extui %eq3A_6 : i1 to i32
    %cond3A_8 = arith.constant 0 : i32
    %cond3A_9 = arith.cmpi ne, %convert_element_type3A_7, %cond3A_8 : i32
    scf.if %cond3A_9 {
      %scan3A_62 = arith.constant 0 : i32
      %scan3A_63 = arith.constant 0 : i32
      %scan3A_64 = arith.constant 10 : i32
      %scan3A_65 = arith.addi %scan3A_63, %scan3A_64 : i32
      %scan3A_66 = arith.constant 1 : i32
      scf.for %scan3A_68 = %scan3A_63 to %scan3A_65 step %scan3A_66  : i32 {
        %mul3A_69 = arith.constant 80 : i32
        %mul3A_70 = arith.muli %arg1, %mul3A_69 : i32
        %mul3A_71 = arith.constant 8 : i32
        %mul3A_72 = arith.muli %scan3A_68, %mul3A_71 : i32
        %add3A_73 = arith.addi %mul3A_70, %mul3A_72 : i32
        "tpu.region"() ({
          %run_scoped3A_81 = tpu.sem_alloc : memref<!tpu.dma_semaphore, #tpu.memory_space<semaphore_mem>>
          %dma_start3A = arith.constant 0 : i32
          %dma_start3A_82 = arith.constant 0 : i32
          %dma_start3A_83 = tpu.memref_slice %arg10[%dma_start3A, %dma_start3A_82] : memref<40x128xi32, #tpu.memory_space<vmem>> -> memref<8x128xi32, #tpu.memory_space<vmem>>
          %dma_start3A_84 = arith.constant 0 : i32
          %dma_start3A_85 = tpu.memref_slice %arg3[%add3A_73, %dma_start3A_84] : memref<1312x128xi32, #tpu.memory_space<hbm>> -> memref<8x128xi32, #tpu.memory_space<hbm>>
          %dma_start3A_86 = arith.constant 0 : i32
          %dma_start3A_87 = arith.constant 0 : i32
          %dma_start3A_88 = tpu.memref_slice %arg10[%dma_start3A_86, %dma_start3A_87] : memref<40x128xi32, #tpu.memory_space<vmem>> -> memref<8x128xi32, #tpu.memory_space<vmem>>
          %dma_start3A_89 = arith.constant 0 : i32
          %dma_start3A_90 = tpu.memref_slice %arg3[%add3A_73, %dma_start3A_89] : memref<1312x128xi32, #tpu.memory_space<hbm>> -> memref<8x128xi32, #tpu.memory_space<hbm>>
          tpu.enqueue_dma source(%dma_start3A_90 : memref<8x128xi32, #tpu.memory_space<hbm>>) target(%dma_start3A_88 : memref<8x128xi32, #tpu.memory_space<vmem>>) target_semaphore(%run_scoped3A_81 : memref<!tpu.dma_semaphore, #tpu.memory_space<semaphore_mem>>)
          %dma_wait3A = arith.constant 0 : i32
          %dma_wait3A_91 = arith.constant 0 : i32
          %dma_wait3A_92 = tpu.memref_slice %arg10[%dma_wait3A, %dma_wait3A_91] : memref<40x128xi32, #tpu.memory_space<vmem>> -> memref<8x128xi32, #tpu.memory_space<vmem>>
          %dma_wait3A_93 = arith.constant 0 : i32
          %dma_wait3A_94 = tpu.memref_slice %arg3[%add3A_73, %dma_wait3A_93] : memref<1312x128xi32, #tpu.memory_space<hbm>> -> memref<8x128xi32, #tpu.memory_space<hbm>>
          %dma_wait3A_95 = arith.constant 0 : i32
          %dma_wait3A_96 = arith.constant 0 : i32
          %dma_wait3A_97 = tpu.memref_slice %arg10[%dma_wait3A_95, %dma_wait3A_96] : memref<40x128xi32, #tpu.memory_space<vmem>> -> memref<8x128xi32, #tpu.memory_space<vmem>>
          %dma_wait3A_98 = arith.constant 0 : i32
          %dma_wait3A_99 = tpu.memref_slice %arg3[%add3A_73, %dma_wait3A_98] : memref<1312x128xi32, #tpu.memory_space<hbm>> -> memref<8x128xi32, #tpu.memory_space<hbm>>
          tpu.wait_dma2 semaphore(%run_scoped3A_81 : memref<!tpu.dma_semaphore, #tpu.memory_space<semaphore_mem>>) src(%dma_wait3A_99 : memref<8x128xi32, #tpu.memory_space<hbm>>) dst(%dma_wait3A_97 : memref<8x128xi32, #tpu.memory_space<vmem>>)
          tpu.yield
        }) : () -> ()
        %run_scoped3A = arith.constant 0 : i32
        "tpu.region"() ({
          %run_scoped3A_81 = tpu.sem_alloc : memref<!tpu.dma_semaphore, #tpu.memory_space<semaphore_mem>>
          %dma_start3A = arith.constant 0 : i32
          %dma_start3A_82 = tpu.memref_slice %arg10[%run_scoped3A, %dma_start3A] : memref<40x128xi32, #tpu.memory_space<vmem>> -> memref<1x128xi32, #tpu.memory_space<vmem>>
          %dma_start3A_83 = tpu.memref_squeeze %dma_start3A_82 : memref<1x128xi32, #tpu.memory_space<vmem>> -> memref<128xi32, #tpu.memory_space<vmem>>
          %dma_start3A_84 = arith.constant 0 : i32
          %dma_start3A_85 = tpu.memref_slice %arg16[%dma_start3A_84] : memref<10240xf32, #tpu.memory_space<vmem_shared>> -> memref<10240xf32, #tpu.memory_space<vmem_shared>>
          tpu.enqueue_indirect_dma source(%arg11 : memref<128xf32, #tpu.memory_space<vmem>>) target(%dma_start3A_85 : memref<10240xf32, #tpu.memory_space<vmem_shared>>) offsets(%dma_start3A_83 : memref<128xi32, #tpu.memory_space<vmem>>) semaphore(%run_scoped3A_81 : memref<!tpu.dma_semaphore, #tpu.memory_space<semaphore_mem>>) {add = true}
          %dma_wait3A = arith.constant 0 : i32
          %dma_wait3A_86 = tpu.memref_slice %arg10[%run_scoped3A, %dma_wait3A] : memref<40x128xi32, #tpu.memory_space<vmem>> -> memref<1x128xi32, #tpu.memory_space<vmem>>
          %dma_wait3A_87 = tpu.memref_squeeze %dma_wait3A_86 : memref<1x128xi32, #tpu.memory_space<vmem>> -> memref<128xi32, #tpu.memory_space<vmem>>
          %dma_wait3A_88 = arith.constant 0 : i32
          %dma_wait3A_89 = tpu.memref_slice %arg16[%dma_wait3A_88] : memref<10240xf32, #tpu.memory_space<vmem_shared>> -> memref<10240xf32, #tpu.memory_space<vmem_shared>>
          tpu.wait_indirect_dma semaphore(%run_scoped3A_81 : memref<!tpu.dma_semaphore, #tpu.memory_space<semaphore_mem>>) src(%arg11 : memref<128xf32, #tpu.memory_space<vmem>>) dst(%dma_wait3A_89 : memref<10240xf32, #tpu.memory_space<vmem_shared>>)
          tpu.yield
        }) : () -> ()
        %run_scoped3A_74 = arith.constant 1 : i32
        "tpu.region"() ({
          %run_scoped3A_81 = tpu.sem_alloc : memref<!tpu.dma_semaphore, #tpu.memory_space<semaphore_mem>>
          %dma_start3A = arith.constant 0 : i32
          %dma_start3A_82 = tpu.memref_slice %arg10[%run_scoped3A_74, %dma_start3A] : memref<40x128xi32, #tpu.memory_space<vmem>> -> memref<1x128xi32, #tpu.memory_space<vmem>>
          %dma_start3A_83 = tpu.memref_squeeze %dma_start3A_82 : memref<1x128xi32, #tpu.memory_space<vmem>> -> memref<128xi32, #tpu.memory_space<vmem>>
          %dma_start3A_84 = arith.constant 0 : i32
          %dma_start3A_85 = tpu.memref_slice %arg16[%dma_start3A_84] : memref<10240xf32, #tpu.memory_space<vmem_shared>> -> memref<10240xf32, #tpu.memory_space<vmem_shared>>
          tpu.enqueue_indirect_dma source(%arg11 : memref<128xf32, #tpu.memory_space<vmem>>) target(%dma_start3A_85 : memref<10240xf32, #tpu.memory_space<vmem_shared>>) offsets(%dma_start3A_83 : memref<128xi32, #tpu.memory_space<vmem>>) semaphore(%run_scoped3A_81 : memref<!tpu.dma_semaphore, #tpu.memory_space<semaphore_mem>>) {add = true}
          %dma_wait3A = arith.constant 0 : i32
          %dma_wait3A_86 = tpu.memref_slice %arg10[%run_scoped3A_74, %dma_wait3A] : memref<40x128xi32, #tpu.memory_space<vmem>> -> memref<1x128xi32, #tpu.memory_space<vmem>>
          %dma_wait3A_87 = tpu.memref_squeeze %dma_wait3A_86 : memref<1x128xi32, #tpu.memory_space<vmem>> -> memref<128xi32, #tpu.memory_space<vmem>>
          %dma_wait3A_88 = arith.constant 0 : i32
          %dma_wait3A_89 = tpu.memref_slice %arg16[%dma_wait3A_88] : memref<10240xf32, #tpu.memory_space<vmem_shared>> -> memref<10240xf32, #tpu.memory_space<vmem_shared>>
          tpu.wait_indirect_dma semaphore(%run_scoped3A_81 : memref<!tpu.dma_semaphore, #tpu.memory_space<semaphore_mem>>) src(%arg11 : memref<128xf32, #tpu.memory_space<vmem>>) dst(%dma_wait3A_89 : memref<10240xf32, #tpu.memory_space<vmem_shared>>)
          tpu.yield
        }) : () -> ()
        %run_scoped3A_75 = arith.constant 2 : i32
        "tpu.region"() ({
          %run_scoped3A_81 = tpu.sem_alloc : memref<!tpu.dma_semaphore, #tpu.memory_space<semaphore_mem>>
          %dma_start3A = arith.constant 0 : i32
          %dma_start3A_82 = tpu.memref_slice %arg10[%run_scoped3A_75, %dma_start3A] : memref<40x128xi32, #tpu.memory_space<vmem>> -> memref<1x128xi32, #tpu.memory_space<vmem>>
          %dma_start3A_83 = tpu.memref_squeeze %dma_start3A_82 : memref<1x128xi32, #tpu.memory_space<vmem>> -> memref<128xi32, #tpu.memory_space<vmem>>
          %dma_start3A_84 = arith.constant 0 : i32
          %dma_start3A_85 = tpu.memref_slice %arg16[%dma_start3A_84] : memref<10240xf32, #tpu.memory_space<vmem_shared>> -> memref<10240xf32, #tpu.memory_space<vmem_shared>>
          tpu.enqueue_indirect_dma source(%arg11 : memref<128xf32, #tpu.memory_space<vmem>>) target(%dma_start3A_85 : memref<10240xf32, #tpu.memory_space<vmem_shared>>) offsets(%dma_start3A_83 : memref<128xi32, #tpu.memory_space<vmem>>) semaphore(%run_scoped3A_81 : memref<!tpu.dma_semaphore, #tpu.memory_space<semaphore_mem>>) {add = true}
          %dma_wait3A = arith.constant 0 : i32
          %dma_wait3A_86 = tpu.memref_slice %arg10[%run_scoped3A_75, %dma_wait3A] : memref<40x128xi32, #tpu.memory_space<vmem>> -> memref<1x128xi32, #tpu.memory_space<vmem>>
          %dma_wait3A_87 = tpu.memref_squeeze %dma_wait3A_86 : memref<1x128xi32, #tpu.memory_space<vmem>> -> memref<128xi32, #tpu.memory_space<vmem>>
          %dma_wait3A_88 = arith.constant 0 : i32
          %dma_wait3A_89 = tpu.memref_slice %arg16[%dma_wait3A_88] : memref<10240xf32, #tpu.memory_space<vmem_shared>> -> memref<10240xf32, #tpu.memory_space<vmem_shared>>
          tpu.wait_indirect_dma semaphore(%run_scoped3A_81 : memref<!tpu.dma_semaphore, #tpu.memory_space<semaphore_mem>>) src(%arg11 : memref<128xf32, #tpu.memory_space<vmem>>) dst(%dma_wait3A_89 : memref<10240xf32, #tpu.memory_space<vmem_shared>>)
          tpu.yield
        }) : () -> ()
        %run_scoped3A_76 = arith.constant 3 : i32
        "tpu.region"() ({
          %run_scoped3A_81 = tpu.sem_alloc : memref<!tpu.dma_semaphore, #tpu.memory_space<semaphore_mem>>
          %dma_start3A = arith.constant 0 : i32
          %dma_start3A_82 = tpu.memref_slice %arg10[%run_scoped3A_76, %dma_start3A] : memref<40x128xi32, #tpu.memory_space<vmem>> -> memref<1x128xi32, #tpu.memory_space<vmem>>
          %dma_start3A_83 = tpu.memref_squeeze %dma_start3A_82 : memref<1x128xi32, #tpu.memory_space<vmem>> -> memref<128xi32, #tpu.memory_space<vmem>>
          %dma_start3A_84 = arith.constant 0 : i32
          %dma_start3A_85 = tpu.memref_slice %arg16[%dma_start3A_84] : memref<10240xf32, #tpu.memory_space<vmem_shared>> -> memref<10240xf32, #tpu.memory_space<vmem_shared>>
          tpu.enqueue_indirect_dma source(%arg11 : memref<128xf32, #tpu.memory_space<vmem>>) target(%dma_start3A_85 : memref<10240xf32, #tpu.memory_space<vmem_shared>>) offsets(%dma_start3A_83 : memref<128xi32, #tpu.memory_space<vmem>>) semaphore(%run_scoped3A_81 : memref<!tpu.dma_semaphore, #tpu.memory_space<semaphore_mem>>) {add = true}
          %dma_wait3A = arith.constant 0 : i32
          %dma_wait3A_86 = tpu.memref_slice %arg10[%run_scoped3A_76, %dma_wait3A] : memref<40x128xi32, #tpu.memory_space<vmem>> -> memref<1x128xi32, #tpu.memory_space<vmem>>
          %dma_wait3A_87 = tpu.memref_squeeze %dma_wait3A_86 : memref<1x128xi32, #tpu.memory_space<vmem>> -> memref<128xi32, #tpu.memory_space<vmem>>
          %dma_wait3A_88 = arith.constant 0 : i32
          %dma_wait3A_89 = tpu.memref_slice %arg16[%dma_wait3A_88] : memref<10240xf32, #tpu.memory_space<vmem_shared>> -> memref<10240xf32, #tpu.memory_space<vmem_shared>>
          tpu.wait_indirect_dma semaphore(%run_scoped3A_81 : memref<!tpu.dma_semaphore, #tpu.memory_space<semaphore_mem>>) src(%arg11 : memref<128xf32, #tpu.memory_space<vmem>>) dst(%dma_wait3A_89 : memref<10240xf32, #tpu.memory_space<vmem_shared>>)
          tpu.yield
        }) : () -> ()
        %run_scoped3A_77 = arith.constant 4 : i32
        "tpu.region"() ({
          %run_scoped3A_81 = tpu.sem_alloc : memref<!tpu.dma_semaphore, #tpu.memory_space<semaphore_mem>>
          %dma_start3A = arith.constant 0 : i32
          %dma_start3A_82 = tpu.memref_slice %arg10[%run_scoped3A_77, %dma_start3A] : memref<40x128xi32, #tpu.memory_space<vmem>> -> memref<1x128xi32, #tpu.memory_space<vmem>>
          %dma_start3A_83 = tpu.memref_squeeze %dma_start3A_82 : memref<1x128xi32, #tpu.memory_space<vmem>> -> memref<128xi32, #tpu.memory_space<vmem>>
          %dma_start3A_84 = arith.constant 0 : i32
          %dma_start3A_85 = tpu.memref_slice %arg16[%dma_start3A_84] : memref<10240xf32, #tpu.memory_space<vmem_shared>> -> memref<10240xf32, #tpu.memory_space<vmem_shared>>
          tpu.enqueue_indirect_dma source(%arg11 : memref<128xf32, #tpu.memory_space<vmem>>) target(%dma_start3A_85 : memref<10240xf32, #tpu.memory_space<vmem_shared>>) offsets(%dma_start3A_83 : memref<128xi32, #tpu.memory_space<vmem>>) semaphore(%run_scoped3A_81 : memref<!tpu.dma_semaphore, #tpu.memory_space<semaphore_mem>>) {add = true}
          %dma_wait3A = arith.constant 0 : i32
          %dma_wait3A_86 = tpu.memref_slice %arg10[%run_scoped3A_77, %dma_wait3A] : memref<40x128xi32, #tpu.memory_space<vmem>> -> memref<1x128xi32, #tpu.memory_space<vmem>>
          %dma_wait3A_87 = tpu.memref_squeeze %dma_wait3A_86 : memref<1x128xi32, #tpu.memory_space<vmem>> -> memref<128xi32, #tpu.memory_space<vmem>>
          %dma_wait3A_88 = arith.constant 0 : i32
          %dma_wait3A_89 = tpu.memref_slice %arg16[%dma_wait3A_88] : memref<10240xf32, #tpu.memory_space<vmem_shared>> -> memref<10240xf32, #tpu.memory_space<vmem_shared>>
          tpu.wait_indirect_dma semaphore(%run_scoped3A_81 : memref<!tpu.dma_semaphore, #tpu.memory_space<semaphore_mem>>) src(%arg11 : memref<128xf32, #tpu.memory_space<vmem>>) dst(%dma_wait3A_89 : memref<10240xf32, #tpu.memory_space<vmem_shared>>)
          tpu.yield
        }) : () -> ()
        %run_scoped3A_78 = arith.constant 5 : i32
        "tpu.region"() ({
          %run_scoped3A_81 = tpu.sem_alloc : memref<!tpu.dma_semaphore, #tpu.memory_space<semaphore_mem>>
          %dma_start3A = arith.constant 0 : i32
          %dma_start3A_82 = tpu.memref_slice %arg10[%run_scoped3A_78, %dma_start3A] : memref<40x128xi32, #tpu.memory_space<vmem>> -> memref<1x128xi32, #tpu.memory_space<vmem>>
          %dma_start3A_83 = tpu.memref_squeeze %dma_start3A_82 : memref<1x128xi32, #tpu.memory_space<vmem>> -> memref<128xi32, #tpu.memory_space<vmem>>
          %dma_start3A_84 = arith.constant 0 : i32
          %dma_start3A_85 = tpu.memref_slice %arg16[%dma_start3A_84] : memref<10240xf32, #tpu.memory_space<vmem_shared>> -> memref<10240xf32, #tpu.memory_space<vmem_shared>>
          tpu.enqueue_indirect_dma source(%arg11 : memref<128xf32, #tpu.memory_space<vmem>>) target(%dma_start3A_85 : memref<10240xf32, #tpu.memory_space<vmem_shared>>) offsets(%dma_start3A_83 : memref<128xi32, #tpu.memory_space<vmem>>) semaphore(%run_scoped3A_81 : memref<!tpu.dma_semaphore, #tpu.memory_space<semaphore_mem>>) {add = true}
          %dma_wait3A = arith.constant 0 : i32
          %dma_wait3A_86 = tpu.memref_slice %arg10[%run_scoped3A_78, %dma_wait3A] : memref<40x128xi32, #tpu.memory_space<vmem>> -> memref<1x128xi32, #tpu.memory_space<vmem>>
          %dma_wait3A_87 = tpu.memref_squeeze %dma_wait3A_86 : memref<1x128xi32, #tpu.memory_space<vmem>> -> memref<128xi32, #tpu.memory_space<vmem>>
          %dma_wait3A_88 = arith.constant 0 : i32
          %dma_wait3A_89 = tpu.memref_slice %arg16[%dma_wait3A_88] : memref<10240xf32, #tpu.memory_space<vmem_shared>> -> memref<10240xf32, #tpu.memory_space<vmem_shared>>
          tpu.wait_indirect_dma semaphore(%run_scoped3A_81 : memref<!tpu.dma_semaphore, #tpu.memory_space<semaphore_mem>>) src(%arg11 : memref<128xf32, #tpu.memory_space<vmem>>) dst(%dma_wait3A_89 : memref<10240xf32, #tpu.memory_space<vmem_shared>>)
          tpu.yield
        }) : () -> ()
        %run_scoped3A_79 = arith.constant 6 : i32
        "tpu.region"() ({
          %run_scoped3A_81 = tpu.sem_alloc : memref<!tpu.dma_semaphore, #tpu.memory_space<semaphore_mem>>
          %dma_start3A = arith.constant 0 : i32
          %dma_start3A_82 = tpu.memref_slice %arg10[%run_scoped3A_79, %dma_start3A] : memref<40x128xi32, #tpu.memory_space<vmem>> -> memref<1x128xi32, #tpu.memory_space<vmem>>
          %dma_start3A_83 = tpu.memref_squeeze %dma_start3A_82 : memref<1x128xi32, #tpu.memory_space<vmem>> -> memref<128xi32, #tpu.memory_space<vmem>>
          %dma_start3A_84 = arith.constant 0 : i32
          %dma_start3A_85 = tpu.memref_slice %arg16[%dma_start3A_84] : memref<10240xf32, #tpu.memory_space<vmem_shared>> -> memref<10240xf32, #tpu.memory_space<vmem_shared>>
          tpu.enqueue_indirect_dma source(%arg11 : memref<128xf32, #tpu.memory_space<vmem>>) target(%dma_start3A_85 : memref<10240xf32, #tpu.memory_space<vmem_shared>>) offsets(%dma_start3A_83 : memref<128xi32, #tpu.memory_space<vmem>>) semaphore(%run_scoped3A_81 : memref<!tpu.dma_semaphore, #tpu.memory_space<semaphore_mem>>) {add = true}
          %dma_wait3A = arith.constant 0 : i32
          %dma_wait3A_86 = tpu.memref_slice %arg10[%run_scoped3A_79, %dma_wait3A] : memref<40x128xi32, #tpu.memory_space<vmem>> -> memref<1x128xi32, #tpu.memory_space<vmem>>
          %dma_wait3A_87 = tpu.memref_squeeze %dma_wait3A_86 : memref<1x128xi32, #tpu.memory_space<vmem>> -> memref<128xi32, #tpu.memory_space<vmem>>
          %dma_wait3A_88 = arith.constant 0 : i32
          %dma_wait3A_89 = tpu.memref_slice %arg16[%dma_wait3A_88] : memref<10240xf32, #tpu.memory_space<vmem_shared>> -> memref<10240xf32, #tpu.memory_space<vmem_shared>>
          tpu.wait_indirect_dma semaphore(%run_scoped3A_81 : memref<!tpu.dma_semaphore, #tpu.memory_space<semaphore_mem>>) src(%arg11 : memref<128xf32, #tpu.memory_space<vmem>>) dst(%dma_wait3A_89 : memref<10240xf32, #tpu.memory_space<vmem_shared>>)
          tpu.yield
        }) : () -> ()
        %run_scoped3A_80 = arith.constant 7 : i32
        "tpu.region"() ({
          %run_scoped3A_81 = tpu.sem_alloc : memref<!tpu.dma_semaphore, #tpu.memory_space<semaphore_mem>>
          %dma_start3A = arith.constant 0 : i32
          %dma_start3A_82 = tpu.memref_slice %arg10[%run_scoped3A_80, %dma_start3A] : memref<40x128xi32, #tpu.memory_space<vmem>> -> memref<1x128xi32, #tpu.memory_space<vmem>>
          %dma_start3A_83 = tpu.memref_squeeze %dma_start3A_82 : memref<1x128xi32, #tpu.memory_space<vmem>> -> memref<128xi32, #tpu.memory_space<vmem>>
          %dma_start3A_84 = arith.constant 0 : i32
          %dma_start3A_85 = tpu.memref_slice %arg16[%dma_start3A_84] : memref<10240xf32, #tpu.memory_space<vmem_shared>> -> memref<10240xf32, #tpu.memory_space<vmem_shared>>
          tpu.enqueue_indirect_dma source(%arg11 : memref<128xf32, #tpu.memory_space<vmem>>) target(%dma_start3A_85 : memref<10240xf32, #tpu.memory_space<vmem_shared>>) offsets(%dma_start3A_83 : memref<128xi32, #tpu.memory_space<vmem>>) semaphore(%run_scoped3A_81 : memref<!tpu.dma_semaphore, #tpu.memory_space<semaphore_mem>>) {add = true}
          %dma_wait3A = arith.constant 0 : i32
          %dma_wait3A_86 = tpu.memref_slice %arg10[%run_scoped3A_80, %dma_wait3A] : memref<40x128xi32, #tpu.memory_space<vmem>> -> memref<1x128xi32, #tpu.memory_space<vmem>>
          %dma_wait3A_87 = tpu.memref_squeeze %dma_wait3A_86 : memref<1x128xi32, #tpu.memory_space<vmem>> -> memref<128xi32, #tpu.memory_space<vmem>>
          %dma_wait3A_88 = arith.constant 0 : i32
          %dma_wait3A_89 = tpu.memref_slice %arg16[%dma_wait3A_88] : memref<10240xf32, #tpu.memory_space<vmem_shared>> -> memref<10240xf32, #tpu.memory_space<vmem_shared>>
          tpu.wait_indirect_dma semaphore(%run_scoped3A_81 : memref<!tpu.dma_semaphore, #tpu.memory_space<semaphore_mem>>) src(%arg11 : memref<128xf32, #tpu.memory_space<vmem>>) dst(%dma_wait3A_89 : memref<10240xf32, #tpu.memory_space<vmem_shared>>)
          tpu.yield
        }) : () -> ()
      }
      %scan3A_67 = arith.constant 10 : i32
    } else {
    }
    %eq3A_10 = arith.constant 0 : i32
    "tpu.trace_stop"() : () -> ()
    %eq3A_11 = arith.cmpi eq, %arg0, %eq3A_10 : i32
    %jit3A = arith.constant 72 : i32
    %jit3A_12 = arith.constant 8 : i32
    %select_n3A = arith.select %eq3A_11, %jit3A, %jit3A_12 : i32
    %mul3A_13 = arith.constant 72 : i32
    %mul3A_14 = arith.muli %arg1, %mul3A_13 : i32
    %mul3A_15 = arith.constant 8 : i32
    %mul3A_16 = arith.muli %arg1, %mul3A_15 : i32
    %add3A_17 = arith.constant 1152 : i32
    %add3A_18 = arith.addi %add3A_17, %mul3A_16 : i32
    %select_n3A_19 = arith.select %eq3A_11, %mul3A_14, %add3A_18 : i32
    "tpu.trace_start"() <{level = 10 : i32, message = "s_phase"}> : () -> ()
    %add3A_20 = arith.constant 40 : i32
    %add3A_21 = arith.addi %select_n3A, %add3A_20 : i32
    %sub3A = arith.constant 1 : i32
    %sub3A_22 = arith.subi %add3A_21, %sub3A : i32
    %jit3A_23 = arith.constant 40 : i32
    %div3A = arith.divsi %sub3A_22, %jit3A_23 : i32
    %sign3A = arith.constant 0 : i32
    %sign3A_24 = arith.cmpi sgt, %sub3A_22, %sign3A : i32
    %sign3A_25 = arith.extui %sign3A_24 : i1 to i32
    %sign3A_26 = arith.constant 0 : i32
    %sign3A_27 = arith.cmpi slt, %sub3A_22, %sign3A_26 : i32
    %sign3A_28 = arith.extui %sign3A_27 : i1 to i32
    %sign3A_29 = arith.subi %sign3A_25, %sign3A_28 : i32
    %sign3A_30 = arith.constant 0 : i32
    %sign3A_31 = arith.cmpi sgt, %jit3A_23, %sign3A_30 : i32
    %sign3A_32 = arith.extui %sign3A_31 : i1 to i32
    %sign3A_33 = arith.constant 0 : i32
    %sign3A_34 = arith.cmpi slt, %jit3A_23, %sign3A_33 : i32
    %sign3A_35 = arith.extui %sign3A_34 : i1 to i32
    %sign3A_36 = arith.subi %sign3A_32, %sign3A_35 : i32
    %ne3A = arith.cmpi ne, %sign3A_29, %sign3A_36 : i32
    %rem3A = arith.remsi %sub3A_22, %jit3A_23 : i32
    %ne3A_37 = arith.constant 0 : i32
    %ne3A_38 = arith.cmpi ne, %rem3A, %ne3A_37 : i32
    %and3A = arith.andi %ne3A, %ne3A_38 : i1
    %sub3A_39 = arith.constant 1 : i32
    %sub3A_40 = arith.subi %div3A, %sub3A_39 : i32
    %select_n3A_41 = arith.select %and3A, %sub3A_40, %div3A : i32
    %while3A = arith.constant 0 : i32
    %while3A_42 = arith.constant 0 : i32
    %while3A_43 = arith.subi %select_n3A_41, %while3A_42 : i32
    %while3A_44 = arith.addi %while3A_42, %while3A_43 : i32
    %while3A_45 = arith.constant 1 : i32
    %while3A_46 = arith.divsi %while3A_43, %while3A_45 : i32
    %while3A_47 = arith.muli %while3A_46, %while3A_45 : i32
    %while3A_48 = arith.addi %while3A_42, %while3A_47 : i32
    %while3A_49 = arith.constant 1 : i32
    scf.for %while3A_62 = %while3A_42 to %while3A_48 step %while3A_49  : i32 {
      %mul3A_63 = arith.constant 40 : i32
      %mul3A_64 = arith.muli %while3A_62, %mul3A_63 : i32
      %add3A_65 = arith.addi %select_n3A_19, %mul3A_64 : i32
      %mul3A_66 = arith.constant 40 : i32
      %mul3A_67 = arith.muli %while3A_62, %mul3A_66 : i32
      %sub3A_68 = arith.subi %select_n3A, %mul3A_67 : i32
      %min3A = arith.constant 40 : i32
      %min3A_69 = arith.minsi %sub3A_68, %min3A : i32
      %jit3A_70 = arith.constant 2 : i32
      %div3A_71 = arith.divsi %min3A_69, %jit3A_70 : i32
      %sign3A_72 = arith.constant 0 : i32
      %sign3A_73 = arith.cmpi sgt, %min3A_69, %sign3A_72 : i32
      %sign3A_74 = arith.extui %sign3A_73 : i1 to i32
      %sign3A_75 = arith.constant 0 : i32
      %sign3A_76 = arith.cmpi slt, %min3A_69, %sign3A_75 : i32
      %sign3A_77 = arith.extui %sign3A_76 : i1 to i32
      %sign3A_78 = arith.subi %sign3A_74, %sign3A_77 : i32
      %sign3A_79 = arith.constant 0 : i32
      %sign3A_80 = arith.cmpi sgt, %jit3A_70, %sign3A_79 : i32
      %sign3A_81 = arith.extui %sign3A_80 : i1 to i32
      %sign3A_82 = arith.constant 0 : i32
      %sign3A_83 = arith.cmpi slt, %jit3A_70, %sign3A_82 : i32
      %sign3A_84 = arith.extui %sign3A_83 : i1 to i32
      %sign3A_85 = arith.subi %sign3A_81, %sign3A_84 : i32
      %ne3A_86 = arith.cmpi ne, %sign3A_78, %sign3A_85 : i32
      %rem3A_87 = arith.remsi %min3A_69, %jit3A_70 : i32
      %ne3A_88 = arith.constant 0 : i32
      %ne3A_89 = arith.cmpi ne, %rem3A_87, %ne3A_88 : i32
      %and3A_90 = arith.andi %ne3A_86, %ne3A_89 : i1
      %sub3A_91 = arith.constant 1 : i32
      %sub3A_92 = arith.subi %div3A_71, %sub3A_91 : i32
      %select_n3A_93 = arith.select %and3A_90, %sub3A_92, %div3A_71 : i32
      "tpu.region"() ({
        %run_scoped3A = tpu.sem_alloc : memref<!tpu.dma_semaphore, #tpu.memory_space<semaphore_mem>>
        %dma_start3A_117 = arith.constant 0 : i32
        %dma_start3A_118 = tpu.memref_slice %arg2[%add3A_65, %dma_start3A_117] : memref<1312x128xi32, #tpu.memory_space<hbm>> -> memref<40x128xi32, #tpu.memory_space<hbm>>
        %dma_start3A_119 = arith.constant 0 : i32
        %dma_start3A_120 = tpu.memref_slice %arg2[%add3A_65, %dma_start3A_119] : memref<1312x128xi32, #tpu.memory_space<hbm>> -> memref<40x128xi32, #tpu.memory_space<hbm>>
        tpu.enqueue_dma source(%dma_start3A_120 : memref<40x128xi32, #tpu.memory_space<hbm>>) target(%arg9 : memref<40x128xi32, #tpu.memory_space<vmem>>) target_semaphore(%run_scoped3A : memref<!tpu.dma_semaphore, #tpu.memory_space<semaphore_mem>>)
        %dma_wait3A = arith.constant 0 : i32
        %dma_wait3A_121 = tpu.memref_slice %arg2[%add3A_65, %dma_wait3A] : memref<1312x128xi32, #tpu.memory_space<hbm>> -> memref<40x128xi32, #tpu.memory_space<hbm>>
        %dma_wait3A_122 = arith.constant 0 : i32
        %dma_wait3A_123 = tpu.memref_slice %arg2[%add3A_65, %dma_wait3A_122] : memref<1312x128xi32, #tpu.memory_space<hbm>> -> memref<40x128xi32, #tpu.memory_space<hbm>>
        tpu.wait_dma2 semaphore(%run_scoped3A : memref<!tpu.dma_semaphore, #tpu.memory_space<semaphore_mem>>) src(%dma_wait3A_123 : memref<40x128xi32, #tpu.memory_space<hbm>>) dst(%arg9 : memref<40x128xi32, #tpu.memory_space<vmem>>)
        tpu.yield
      }) : () -> ()
      "tpu.region"() ({
        %run_scoped3A = tpu.sem_alloc : memref<!tpu.dma_semaphore, #tpu.memory_space<semaphore_mem>>
        %dma_start3A_117 = arith.constant 0 : i32
        %dma_start3A_118 = tpu.memref_slice %arg3[%add3A_65, %dma_start3A_117] : memref<1312x128xi32, #tpu.memory_space<hbm>> -> memref<40x128xi32, #tpu.memory_space<hbm>>
        %dma_start3A_119 = arith.constant 0 : i32
        %dma_start3A_120 = tpu.memref_slice %arg3[%add3A_65, %dma_start3A_119] : memref<1312x128xi32, #tpu.memory_space<hbm>> -> memref<40x128xi32, #tpu.memory_space<hbm>>
        tpu.enqueue_dma source(%dma_start3A_120 : memref<40x128xi32, #tpu.memory_space<hbm>>) target(%arg10 : memref<40x128xi32, #tpu.memory_space<vmem>>) target_semaphore(%run_scoped3A : memref<!tpu.dma_semaphore, #tpu.memory_space<semaphore_mem>>)
        %dma_wait3A = arith.constant 0 : i32
        %dma_wait3A_121 = tpu.memref_slice %arg3[%add3A_65, %dma_wait3A] : memref<1312x128xi32, #tpu.memory_space<hbm>> -> memref<40x128xi32, #tpu.memory_space<hbm>>
        %dma_wait3A_122 = arith.constant 0 : i32
        %dma_wait3A_123 = tpu.memref_slice %arg3[%add3A_65, %dma_wait3A_122] : memref<1312x128xi32, #tpu.memory_space<hbm>> -> memref<40x128xi32, #tpu.memory_space<hbm>>
        tpu.wait_dma2 semaphore(%run_scoped3A : memref<!tpu.dma_semaphore, #tpu.memory_space<semaphore_mem>>) src(%dma_wait3A_123 : memref<40x128xi32, #tpu.memory_space<hbm>>) dst(%arg10 : memref<40x128xi32, #tpu.memory_space<vmem>>)
        tpu.yield
      }) : () -> ()
      %dma_start3A = arith.constant 0 : i32
      %dma_start3A_94 = arith.constant 0 : i32
      %dma_start3A_95 = tpu.memref_slice %arg9[%dma_start3A, %dma_start3A_94] : memref<40x128xi32, #tpu.memory_space<vmem>> -> memref<1x128xi32, #tpu.memory_space<vmem>>
      %dma_start3A_96 = tpu.memref_squeeze %dma_start3A_95 : memref<1x128xi32, #tpu.memory_space<vmem>> -> memref<128xi32, #tpu.memory_space<vmem>>
      %dma_start3A_97 = arith.constant 0 : i32
      %dma_start3A_98 = arith.constant 0 : i32
      %dma_start3A_99 = tpu.memref_slice %arg4[%dma_start3A_97, %dma_start3A_98] : memref<10240x128xf32, #tpu.memory_space<hbm>> -> memref<10240x128xf32, #tpu.memory_space<hbm>>
      tpu.enqueue_indirect_dma source(%dma_start3A_99 : memref<10240x128xf32, #tpu.memory_space<hbm>>) target(%arg13 : memref<128x128xf32, #tpu.memory_space<vmem>>) offsets(%dma_start3A_96 : memref<128xi32, #tpu.memory_space<vmem>>) semaphore(%arg17 : memref<!tpu.dma_semaphore, #tpu.memory_space<semaphore_mem>>)
      %dma_start3A_100 = arith.constant 1 : i32
      %dma_start3A_101 = arith.constant 0 : i32
      %dma_start3A_102 = tpu.memref_slice %arg9[%dma_start3A_100, %dma_start3A_101] : memref<40x128xi32, #tpu.memory_space<vmem>> -> memref<1x128xi32, #tpu.memory_space<vmem>>
      %dma_start3A_103 = tpu.memref_squeeze %dma_start3A_102 : memref<1x128xi32, #tpu.memory_space<vmem>> -> memref<128xi32, #tpu.memory_space<vmem>>
      %dma_start3A_104 = arith.constant 0 : i32
      %dma_start3A_105 = arith.constant 0 : i32
      %dma_start3A_106 = tpu.memref_slice %arg4[%dma_start3A_104, %dma_start3A_105] : memref<10240x128xf32, #tpu.memory_space<hbm>> -> memref<10240x128xf32, #tpu.memory_space<hbm>>
      tpu.enqueue_indirect_dma source(%dma_start3A_106 : memref<10240x128xf32, #tpu.memory_space<hbm>>) target(%arg14 : memref<128x128xf32, #tpu.memory_space<vmem>>) offsets(%dma_start3A_103 : memref<128xi32, #tpu.memory_space<vmem>>) semaphore(%arg18 : memref<!tpu.dma_semaphore, #tpu.memory_space<semaphore_mem>>)
      %while3A_107 = arith.constant 0 : i32
      %while3A_108 = arith.constant 0 : i32
      %while3A_109 = arith.subi %select_n3A_93, %while3A_108 : i32
      %while3A_110 = arith.addi %while3A_108, %while3A_109 : i32
      %while3A_111 = arith.constant 1 : i32
      %while3A_112 = arith.divsi %while3A_109, %while3A_111 : i32
      %while3A_113 = arith.muli %while3A_112, %while3A_111 : i32
      %while3A_114 = arith.addi %while3A_108, %while3A_113 : i32
      %while3A_115 = arith.constant 1 : i32
      scf.for %while3A_117 = %while3A_108 to %while3A_114 step %while3A_115  : i32 {
        %mul3A_118 = arith.constant 2 : i32
        %mul3A_119 = arith.muli %mul3A_118, %while3A_117 : i32
        %dma_wait3A = arith.constant 0 : i32
        %dma_wait3A_120 = arith.constant 0 : i32
        %dma_wait3A_121 = tpu.memref_slice %arg9[%dma_wait3A, %dma_wait3A_120] : memref<40x128xi32, #tpu.memory_space<vmem>> -> memref<1x128xi32, #tpu.memory_space<vmem>>
        %dma_wait3A_122 = tpu.memref_squeeze %dma_wait3A_121 : memref<1x128xi32, #tpu.memory_space<vmem>> -> memref<128xi32, #tpu.memory_space<vmem>>
        %dma_wait3A_123 = arith.constant 0 : i32
        %dma_wait3A_124 = arith.constant 0 : i32
        %dma_wait3A_125 = tpu.memref_slice %arg4[%dma_wait3A_123, %dma_wait3A_124] : memref<10240x128xf32, #tpu.memory_space<hbm>> -> memref<10240x128xf32, #tpu.memory_space<hbm>>
        tpu.wait_indirect_dma semaphore(%arg17 : memref<!tpu.dma_semaphore, #tpu.memory_space<semaphore_mem>>) src(%dma_wait3A_125 : memref<10240x128xf32, #tpu.memory_space<hbm>>) dst(%arg13 : memref<128x128xf32, #tpu.memory_space<vmem>>)
        %dma_start3A_126 = arith.constant 0 : i32
        %dma_start3A_127 = tpu.memref_slice %arg10[%mul3A_119, %dma_start3A_126] : memref<40x128xi32, #tpu.memory_space<vmem>> -> memref<1x128xi32, #tpu.memory_space<vmem>>
        %dma_start3A_128 = tpu.memref_squeeze %dma_start3A_127 : memref<1x128xi32, #tpu.memory_space<vmem>> -> memref<128xi32, #tpu.memory_space<vmem>>
        %dma_start3A_129 = arith.constant 0 : i32
        %dma_start3A_130 = arith.constant 0 : i32
        %dma_start3A_131 = tpu.memref_slice %arg15[%dma_start3A_129, %dma_start3A_130] : memref<10240x128xf32, #tpu.memory_space<vmem_shared>> -> memref<10240x128xf32, #tpu.memory_space<vmem_shared>>
        tpu.enqueue_indirect_dma source(%arg13 : memref<128x128xf32, #tpu.memory_space<vmem>>) target(%dma_start3A_131 : memref<10240x128xf32, #tpu.memory_space<vmem_shared>>) offsets(%dma_start3A_128 : memref<128xi32, #tpu.memory_space<vmem>>) semaphore(%arg19 : memref<!tpu.dma_semaphore, #tpu.memory_space<semaphore_mem>>) {add = true}
        %dma_wait3A_132 = arith.constant 0 : i32
        %dma_wait3A_133 = arith.constant 0 : i32
        %dma_wait3A_134 = tpu.memref_slice %arg9[%dma_wait3A_132, %dma_wait3A_133] : memref<40x128xi32, #tpu.memory_space<vmem>> -> memref<1x128xi32, #tpu.memory_space<vmem>>
        %dma_wait3A_135 = tpu.memref_squeeze %dma_wait3A_134 : memref<1x128xi32, #tpu.memory_space<vmem>> -> memref<128xi32, #tpu.memory_space<vmem>>
        %dma_wait3A_136 = arith.constant 0 : i32
        %dma_wait3A_137 = arith.constant 0 : i32
        %dma_wait3A_138 = tpu.memref_slice %arg4[%dma_wait3A_136, %dma_wait3A_137] : memref<10240x128xf32, #tpu.memory_space<hbm>> -> memref<10240x128xf32, #tpu.memory_space<hbm>>
        tpu.wait_indirect_dma semaphore(%arg18 : memref<!tpu.dma_semaphore, #tpu.memory_space<semaphore_mem>>) src(%dma_wait3A_138 : memref<10240x128xf32, #tpu.memory_space<hbm>>) dst(%arg14 : memref<128x128xf32, #tpu.memory_space<vmem>>)
        %add3A_139 = arith.constant 1 : i32
        %add3A_140 = arith.addi %mul3A_119, %add3A_139 : i32
        %dma_start3A_141 = arith.constant 0 : i32
        %dma_start3A_142 = tpu.memref_slice %arg10[%add3A_140, %dma_start3A_141] : memref<40x128xi32, #tpu.memory_space<vmem>> -> memref<1x128xi32, #tpu.memory_space<vmem>>
        %dma_start3A_143 = tpu.memref_squeeze %dma_start3A_142 : memref<1x128xi32, #tpu.memory_space<vmem>> -> memref<128xi32, #tpu.memory_space<vmem>>
        %dma_start3A_144 = arith.constant 0 : i32
        %dma_start3A_145 = arith.constant 0 : i32
        %dma_start3A_146 = tpu.memref_slice %arg15[%dma_start3A_144, %dma_start3A_145] : memref<10240x128xf32, #tpu.memory_space<vmem_shared>> -> memref<10240x128xf32, #tpu.memory_space<vmem_shared>>
        tpu.enqueue_indirect_dma source(%arg14 : memref<128x128xf32, #tpu.memory_space<vmem>>) target(%dma_start3A_146 : memref<10240x128xf32, #tpu.memory_space<vmem_shared>>) offsets(%dma_start3A_143 : memref<128xi32, #tpu.memory_space<vmem>>) semaphore(%arg20 : memref<!tpu.dma_semaphore, #tpu.memory_space<semaphore_mem>>) {add = true}
        %sub3A_147 = arith.constant 1 : i32
        %sub3A_148 = arith.subi %select_n3A_93, %sub3A_147 : i32
        %lt3A = arith.cmpi slt, %while3A_117, %sub3A_148 : i32
        %convert_element_type3A_149 = arith.extui %lt3A : i1 to i32
        %cond3A_150 = arith.constant 0 : i32
        %cond3A_151 = arith.cmpi ne, %convert_element_type3A_149, %cond3A_150 : i32
        scf.if %cond3A_151 {
          %dma_wait3A_158 = arith.constant 0 : i32
          %dma_wait3A_159 = arith.constant 0 : i32
          %dma_wait3A_160 = tpu.memref_slice %arg10[%dma_wait3A_158, %dma_wait3A_159] : memref<40x128xi32, #tpu.memory_space<vmem>> -> memref<1x128xi32, #tpu.memory_space<vmem>>
          %dma_wait3A_161 = tpu.memref_squeeze %dma_wait3A_160 : memref<1x128xi32, #tpu.memory_space<vmem>> -> memref<128xi32, #tpu.memory_space<vmem>>
          %dma_wait3A_162 = arith.constant 0 : i32
          %dma_wait3A_163 = arith.constant 0 : i32
          %dma_wait3A_164 = tpu.memref_slice %arg15[%dma_wait3A_162, %dma_wait3A_163] : memref<10240x128xf32, #tpu.memory_space<vmem_shared>> -> memref<10240x128xf32, #tpu.memory_space<vmem_shared>>
          tpu.wait_indirect_dma semaphore(%arg19 : memref<!tpu.dma_semaphore, #tpu.memory_space<semaphore_mem>>) src(%arg13 : memref<128x128xf32, #tpu.memory_space<vmem>>) dst(%dma_wait3A_164 : memref<10240x128xf32, #tpu.memory_space<vmem_shared>>)
          %add3A_165 = arith.constant 2 : i32
          %add3A_166 = arith.addi %mul3A_119, %add3A_165 : i32
          %dma_start3A_167 = arith.constant 0 : i32
          %dma_start3A_168 = tpu.memref_slice %arg9[%add3A_166, %dma_start3A_167] : memref<40x128xi32, #tpu.memory_space<vmem>> -> memref<1x128xi32, #tpu.memory_space<vmem>>
          %dma_start3A_169 = tpu.memref_squeeze %dma_start3A_168 : memref<1x128xi32, #tpu.memory_space<vmem>> -> memref<128xi32, #tpu.memory_space<vmem>>
          %dma_start3A_170 = arith.constant 0 : i32
          %dma_start3A_171 = arith.constant 0 : i32
          %dma_start3A_172 = tpu.memref_slice %arg4[%dma_start3A_170, %dma_start3A_171] : memref<10240x128xf32, #tpu.memory_space<hbm>> -> memref<10240x128xf32, #tpu.memory_space<hbm>>
          tpu.enqueue_indirect_dma source(%dma_start3A_172 : memref<10240x128xf32, #tpu.memory_space<hbm>>) target(%arg13 : memref<128x128xf32, #tpu.memory_space<vmem>>) offsets(%dma_start3A_169 : memref<128xi32, #tpu.memory_space<vmem>>) semaphore(%arg17 : memref<!tpu.dma_semaphore, #tpu.memory_space<semaphore_mem>>)
          %dma_wait3A_173 = arith.constant 0 : i32
          %dma_wait3A_174 = arith.constant 0 : i32
          %dma_wait3A_175 = tpu.memref_slice %arg10[%dma_wait3A_173, %dma_wait3A_174] : memref<40x128xi32, #tpu.memory_space<vmem>> -> memref<1x128xi32, #tpu.memory_space<vmem>>
          %dma_wait3A_176 = tpu.memref_squeeze %dma_wait3A_175 : memref<1x128xi32, #tpu.memory_space<vmem>> -> memref<128xi32, #tpu.memory_space<vmem>>
          %dma_wait3A_177 = arith.constant 0 : i32
          %dma_wait3A_178 = arith.constant 0 : i32
          %dma_wait3A_179 = tpu.memref_slice %arg15[%dma_wait3A_177, %dma_wait3A_178] : memref<10240x128xf32, #tpu.memory_space<vmem_shared>> -> memref<10240x128xf32, #tpu.memory_space<vmem_shared>>
          tpu.wait_indirect_dma semaphore(%arg20 : memref<!tpu.dma_semaphore, #tpu.memory_space<semaphore_mem>>) src(%arg14 : memref<128x128xf32, #tpu.memory_space<vmem>>) dst(%dma_wait3A_179 : memref<10240x128xf32, #tpu.memory_space<vmem_shared>>)
          %add3A_180 = arith.constant 3 : i32
          %add3A_181 = arith.addi %mul3A_119, %add3A_180 : i32
          %dma_start3A_182 = arith.constant 0 : i32
          %dma_start3A_183 = tpu.memref_slice %arg9[%add3A_181, %dma_start3A_182] : memref<40x128xi32, #tpu.memory_space<vmem>> -> memref<1x128xi32, #tpu.memory_space<vmem>>
          %dma_start3A_184 = tpu.memref_squeeze %dma_start3A_183 : memref<1x128xi32, #tpu.memory_space<vmem>> -> memref<128xi32, #tpu.memory_space<vmem>>
          %dma_start3A_185 = arith.constant 0 : i32
          %dma_start3A_186 = arith.constant 0 : i32
          %dma_start3A_187 = tpu.memref_slice %arg4[%dma_start3A_185, %dma_start3A_186] : memref<10240x128xf32, #tpu.memory_space<hbm>> -> memref<10240x128xf32, #tpu.memory_space<hbm>>
          tpu.enqueue_indirect_dma source(%dma_start3A_187 : memref<10240x128xf32, #tpu.memory_space<hbm>>) target(%arg14 : memref<128x128xf32, #tpu.memory_space<vmem>>) offsets(%dma_start3A_184 : memref<128xi32, #tpu.memory_space<vmem>>) semaphore(%arg18 : memref<!tpu.dma_semaphore, #tpu.memory_space<semaphore_mem>>)
        } else {
        }
        %sub3A_152 = arith.constant 1 : i32
        %sub3A_153 = arith.subi %select_n3A_93, %sub3A_152 : i32
        %eq3A_154 = arith.cmpi eq, %while3A_117, %sub3A_153 : i32
        %convert_element_type3A_155 = arith.extui %eq3A_154 : i1 to i32
        %cond3A_156 = arith.constant 0 : i32
        %cond3A_157 = arith.cmpi ne, %convert_element_type3A_155, %cond3A_156 : i32
        scf.if %cond3A_157 {
          %dma_wait3A_158 = arith.constant 0 : i32
          %dma_wait3A_159 = arith.constant 0 : i32
          %dma_wait3A_160 = tpu.memref_slice %arg10[%dma_wait3A_158, %dma_wait3A_159] : memref<40x128xi32, #tpu.memory_space<vmem>> -> memref<1x128xi32, #tpu.memory_space<vmem>>
          %dma_wait3A_161 = tpu.memref_squeeze %dma_wait3A_160 : memref<1x128xi32, #tpu.memory_space<vmem>> -> memref<128xi32, #tpu.memory_space<vmem>>
          %dma_wait3A_162 = arith.constant 0 : i32
          %dma_wait3A_163 = arith.constant 0 : i32
          %dma_wait3A_164 = tpu.memref_slice %arg15[%dma_wait3A_162, %dma_wait3A_163] : memref<10240x128xf32, #tpu.memory_space<vmem_shared>> -> memref<10240x128xf32, #tpu.memory_space<vmem_shared>>
          tpu.wait_indirect_dma semaphore(%arg19 : memref<!tpu.dma_semaphore, #tpu.memory_space<semaphore_mem>>) src(%arg13 : memref<128x128xf32, #tpu.memory_space<vmem>>) dst(%dma_wait3A_164 : memref<10240x128xf32, #tpu.memory_space<vmem_shared>>)
          %dma_wait3A_165 = arith.constant 0 : i32
          %dma_wait3A_166 = arith.constant 0 : i32
          %dma_wait3A_167 = tpu.memref_slice %arg10[%dma_wait3A_165, %dma_wait3A_166] : memref<40x128xi32, #tpu.memory_space<vmem>> -> memref<1x128xi32, #tpu.memory_space<vmem>>
          %dma_wait3A_168 = tpu.memref_squeeze %dma_wait3A_167 : memref<1x128xi32, #tpu.memory_space<vmem>> -> memref<128xi32, #tpu.memory_space<vmem>>
          %dma_wait3A_169 = arith.constant 0 : i32
          %dma_wait3A_170 = arith.constant 0 : i32
          %dma_wait3A_171 = tpu.memref_slice %arg15[%dma_wait3A_169, %dma_wait3A_170] : memref<10240x128xf32, #tpu.memory_space<vmem_shared>> -> memref<10240x128xf32, #tpu.memory_space<vmem_shared>>
          tpu.wait_indirect_dma semaphore(%arg20 : memref<!tpu.dma_semaphore, #tpu.memory_space<semaphore_mem>>) src(%arg14 : memref<128x128xf32, #tpu.memory_space<vmem>>) dst(%dma_wait3A_171 : memref<10240x128xf32, #tpu.memory_space<vmem_shared>>)
        } else {
        }
      }
      %while3A_116 = arith.constant 1 : i32
      scf.for %while3A_117 = %while3A_114 to %while3A_110 step %while3A_116  : i32 {
        %mul3A_118 = arith.constant 2 : i32
        %mul3A_119 = arith.muli %mul3A_118, %while3A_117 : i32
        %dma_wait3A = arith.constant 0 : i32
        %dma_wait3A_120 = arith.constant 0 : i32
        %dma_wait3A_121 = tpu.memref_slice %arg9[%dma_wait3A, %dma_wait3A_120] : memref<40x128xi32, #tpu.memory_space<vmem>> -> memref<1x128xi32, #tpu.memory_space<vmem>>
        %dma_wait3A_122 = tpu.memref_squeeze %dma_wait3A_121 : memref<1x128xi32, #tpu.memory_space<vmem>> -> memref<128xi32, #tpu.memory_space<vmem>>
        %dma_wait3A_123 = arith.constant 0 : i32
        %dma_wait3A_124 = arith.constant 0 : i32
        %dma_wait3A_125 = tpu.memref_slice %arg4[%dma_wait3A_123, %dma_wait3A_124] : memref<10240x128xf32, #tpu.memory_space<hbm>> -> memref<10240x128xf32, #tpu.memory_space<hbm>>
        tpu.wait_indirect_dma semaphore(%arg17 : memref<!tpu.dma_semaphore, #tpu.memory_space<semaphore_mem>>) src(%dma_wait3A_125 : memref<10240x128xf32, #tpu.memory_space<hbm>>) dst(%arg13 : memref<128x128xf32, #tpu.memory_space<vmem>>)
        %dma_start3A_126 = arith.constant 0 : i32
        %dma_start3A_127 = tpu.memref_slice %arg10[%mul3A_119, %dma_start3A_126] : memref<40x128xi32, #tpu.memory_space<vmem>> -> memref<1x128xi32, #tpu.memory_space<vmem>>
        %dma_start3A_128 = tpu.memref_squeeze %dma_start3A_127 : memref<1x128xi32, #tpu.memory_space<vmem>> -> memref<128xi32, #tpu.memory_space<vmem>>
        %dma_start3A_129 = arith.constant 0 : i32
        %dma_start3A_130 = arith.constant 0 : i32
        %dma_start3A_131 = tpu.memref_slice %arg15[%dma_start3A_129, %dma_start3A_130] : memref<10240x128xf32, #tpu.memory_space<vmem_shared>> -> memref<10240x128xf32, #tpu.memory_space<vmem_shared>>
        tpu.enqueue_indirect_dma source(%arg13 : memref<128x128xf32, #tpu.memory_space<vmem>>) target(%dma_start3A_131 : memref<10240x128xf32, #tpu.memory_space<vmem_shared>>) offsets(%dma_start3A_128 : memref<128xi32, #tpu.memory_space<vmem>>) semaphore(%arg19 : memref<!tpu.dma_semaphore, #tpu.memory_space<semaphore_mem>>) {add = true}
        %dma_wait3A_132 = arith.constant 0 : i32
        %dma_wait3A_133 = arith.constant 0 : i32
        %dma_wait3A_134 = tpu.memref_slice %arg9[%dma_wait3A_132, %dma_wait3A_133] : memref<40x128xi32, #tpu.memory_space<vmem>> -> memref<1x128xi32, #tpu.memory_space<vmem>>
        %dma_wait3A_135 = tpu.memref_squeeze %dma_wait3A_134 : memref<1x128xi32, #tpu.memory_space<vmem>> -> memref<128xi32, #tpu.memory_space<vmem>>
        %dma_wait3A_136 = arith.constant 0 : i32
        %dma_wait3A_137 = arith.constant 0 : i32
        %dma_wait3A_138 = tpu.memref_slice %arg4[%dma_wait3A_136, %dma_wait3A_137] : memref<10240x128xf32, #tpu.memory_space<hbm>> -> memref<10240x128xf32, #tpu.memory_space<hbm>>
        tpu.wait_indirect_dma semaphore(%arg18 : memref<!tpu.dma_semaphore, #tpu.memory_space<semaphore_mem>>) src(%dma_wait3A_138 : memref<10240x128xf32, #tpu.memory_space<hbm>>) dst(%arg14 : memref<128x128xf32, #tpu.memory_space<vmem>>)
        %add3A_139 = arith.constant 1 : i32
        %add3A_140 = arith.addi %mul3A_119, %add3A_139 : i32
        %dma_start3A_141 = arith.constant 0 : i32
        %dma_start3A_142 = tpu.memref_slice %arg10[%add3A_140, %dma_start3A_141] : memref<40x128xi32, #tpu.memory_space<vmem>> -> memref<1x128xi32, #tpu.memory_space<vmem>>
        %dma_start3A_143 = tpu.memref_squeeze %dma_start3A_142 : memref<1x128xi32, #tpu.memory_space<vmem>> -> memref<128xi32, #tpu.memory_space<vmem>>
        %dma_start3A_144 = arith.constant 0 : i32
        %dma_start3A_145 = arith.constant 0 : i32
        %dma_start3A_146 = tpu.memref_slice %arg15[%dma_start3A_144, %dma_start3A_145] : memref<10240x128xf32, #tpu.memory_space<vmem_shared>> -> memref<10240x128xf32, #tpu.memory_space<vmem_shared>>
        tpu.enqueue_indirect_dma source(%arg14 : memref<128x128xf32, #tpu.memory_space<vmem>>) target(%dma_start3A_146 : memref<10240x128xf32, #tpu.memory_space<vmem_shared>>) offsets(%dma_start3A_143 : memref<128xi32, #tpu.memory_space<vmem>>) semaphore(%arg20 : memref<!tpu.dma_semaphore, #tpu.memory_space<semaphore_mem>>) {add = true}
        %sub3A_147 = arith.constant 1 : i32
        %sub3A_148 = arith.subi %select_n3A_93, %sub3A_147 : i32
        %lt3A = arith.cmpi slt, %while3A_117, %sub3A_148 : i32
        %convert_element_type3A_149 = arith.extui %lt3A : i1 to i32
        %cond3A_150 = arith.constant 0 : i32
        %cond3A_151 = arith.cmpi ne, %convert_element_type3A_149, %cond3A_150 : i32
        scf.if %cond3A_151 {
          %dma_wait3A_158 = arith.constant 0 : i32
          %dma_wait3A_159 = arith.constant 0 : i32
          %dma_wait3A_160 = tpu.memref_slice %arg10[%dma_wait3A_158, %dma_wait3A_159] : memref<40x128xi32, #tpu.memory_space<vmem>> -> memref<1x128xi32, #tpu.memory_space<vmem>>
          %dma_wait3A_161 = tpu.memref_squeeze %dma_wait3A_160 : memref<1x128xi32, #tpu.memory_space<vmem>> -> memref<128xi32, #tpu.memory_space<vmem>>
          %dma_wait3A_162 = arith.constant 0 : i32
          %dma_wait3A_163 = arith.constant 0 : i32
          %dma_wait3A_164 = tpu.memref_slice %arg15[%dma_wait3A_162, %dma_wait3A_163] : memref<10240x128xf32, #tpu.memory_space<vmem_shared>> -> memref<10240x128xf32, #tpu.memory_space<vmem_shared>>
          tpu.wait_indirect_dma semaphore(%arg19 : memref<!tpu.dma_semaphore, #tpu.memory_space<semaphore_mem>>) src(%arg13 : memref<128x128xf32, #tpu.memory_space<vmem>>) dst(%dma_wait3A_164 : memref<10240x128xf32, #tpu.memory_space<vmem_shared>>)
          %add3A_165 = arith.constant 2 : i32
          %add3A_166 = arith.addi %mul3A_119, %add3A_165 : i32
          %dma_start3A_167 = arith.constant 0 : i32
          %dma_start3A_168 = tpu.memref_slice %arg9[%add3A_166, %dma_start3A_167] : memref<40x128xi32, #tpu.memory_space<vmem>> -> memref<1x128xi32, #tpu.memory_space<vmem>>
          %dma_start3A_169 = tpu.memref_squeeze %dma_start3A_168 : memref<1x128xi32, #tpu.memory_space<vmem>> -> memref<128xi32, #tpu.memory_space<vmem>>
          %dma_start3A_170 = arith.constant 0 : i32
          %dma_start3A_171 = arith.constant 0 : i32
          %dma_start3A_172 = tpu.memref_slice %arg4[%dma_start3A_170, %dma_start3A_171] : memref<10240x128xf32, #tpu.memory_space<hbm>> -> memref<10240x128xf32, #tpu.memory_space<hbm>>
          tpu.enqueue_indirect_dma source(%dma_start3A_172 : memref<10240x128xf32, #tpu.memory_space<hbm>>) target(%arg13 : memref<128x128xf32, #tpu.memory_space<vmem>>) offsets(%dma_start3A_169 : memref<128xi32, #tpu.memory_space<vmem>>) semaphore(%arg17 : memref<!tpu.dma_semaphore, #tpu.memory_space<semaphore_mem>>)
          %dma_wait3A_173 = arith.constant 0 : i32
          %dma_wait3A_174 = arith.constant 0 : i32
          %dma_wait3A_175 = tpu.memref_slice %arg10[%dma_wait3A_173, %dma_wait3A_174] : memref<40x128xi32, #tpu.memory_space<vmem>> -> memref<1x128xi32, #tpu.memory_space<vmem>>
          %dma_wait3A_176 = tpu.memref_squeeze %dma_wait3A_175 : memref<1x128xi32, #tpu.memory_space<vmem>> -> memref<128xi32, #tpu.memory_space<vmem>>
          %dma_wait3A_177 = arith.constant 0 : i32
          %dma_wait3A_178 = arith.constant 0 : i32
          %dma_wait3A_179 = tpu.memref_slice %arg15[%dma_wait3A_177, %dma_wait3A_178] : memref<10240x128xf32, #tpu.memory_space<vmem_shared>> -> memref<10240x128xf32, #tpu.memory_space<vmem_shared>>
          tpu.wait_indirect_dma semaphore(%arg20 : memref<!tpu.dma_semaphore, #tpu.memory_space<semaphore_mem>>) src(%arg14 : memref<128x128xf32, #tpu.memory_space<vmem>>) dst(%dma_wait3A_179 : memref<10240x128xf32, #tpu.memory_space<vmem_shared>>)
          %add3A_180 = arith.constant 3 : i32
          %add3A_181 = arith.addi %mul3A_119, %add3A_180 : i32
          %dma_start3A_182 = arith.constant 0 : i32
          %dma_start3A_183 = tpu.memref_slice %arg9[%add3A_181, %dma_start3A_182] : memref<40x128xi32, #tpu.memory_space<vmem>> -> memref<1x128xi32, #tpu.memory_space<vmem>>
          %dma_start3A_184 = tpu.memref_squeeze %dma_start3A_183 : memref<1x128xi32, #tpu.memory_space<vmem>> -> memref<128xi32, #tpu.memory_space<vmem>>
          %dma_start3A_185 = arith.constant 0 : i32
          %dma_start3A_186 = arith.constant 0 : i32
          %dma_start3A_187 = tpu.memref_slice %arg4[%dma_start3A_185, %dma_start3A_186] : memref<10240x128xf32, #tpu.memory_space<hbm>> -> memref<10240x128xf32, #tpu.memory_space<hbm>>
          tpu.enqueue_indirect_dma source(%dma_start3A_187 : memref<10240x128xf32, #tpu.memory_space<hbm>>) target(%arg14 : memref<128x128xf32, #tpu.memory_space<vmem>>) offsets(%dma_start3A_184 : memref<128xi32, #tpu.memory_space<vmem>>) semaphore(%arg18 : memref<!tpu.dma_semaphore, #tpu.memory_space<semaphore_mem>>)
        } else {
        }
        %sub3A_152 = arith.constant 1 : i32
        %sub3A_153 = arith.subi %select_n3A_93, %sub3A_152 : i32
        %eq3A_154 = arith.cmpi eq, %while3A_117, %sub3A_153 : i32
        %convert_element_type3A_155 = arith.extui %eq3A_154 : i1 to i32
        %cond3A_156 = arith.constant 0 : i32
        %cond3A_157 = arith.cmpi ne, %convert_element_type3A_155, %cond3A_156 : i32
        scf.if %cond3A_157 {
          %dma_wait3A_158 = arith.constant 0 : i32
          %dma_wait3A_159 = arith.constant 0 : i32
          %dma_wait3A_160 = tpu.memref_slice %arg10[%dma_wait3A_158, %dma_wait3A_159] : memref<40x128xi32, #tpu.memory_space<vmem>> -> memref<1x128xi32, #tpu.memory_space<vmem>>
          %dma_wait3A_161 = tpu.memref_squeeze %dma_wait3A_160 : memref<1x128xi32, #tpu.memory_space<vmem>> -> memref<128xi32, #tpu.memory_space<vmem>>
          %dma_wait3A_162 = arith.constant 0 : i32
          %dma_wait3A_163 = arith.constant 0 : i32
          %dma_wait3A_164 = tpu.memref_slice %arg15[%dma_wait3A_162, %dma_wait3A_163] : memref<10240x128xf32, #tpu.memory_space<vmem_shared>> -> memref<10240x128xf32, #tpu.memory_space<vmem_shared>>
          tpu.wait_indirect_dma semaphore(%arg19 : memref<!tpu.dma_semaphore, #tpu.memory_space<semaphore_mem>>) src(%arg13 : memref<128x128xf32, #tpu.memory_space<vmem>>) dst(%dma_wait3A_164 : memref<10240x128xf32, #tpu.memory_space<vmem_shared>>)
          %dma_wait3A_165 = arith.constant 0 : i32
          %dma_wait3A_166 = arith.constant 0 : i32
          %dma_wait3A_167 = tpu.memref_slice %arg10[%dma_wait3A_165, %dma_wait3A_166] : memref<40x128xi32, #tpu.memory_space<vmem>> -> memref<1x128xi32, #tpu.memory_space<vmem>>
          %dma_wait3A_168 = tpu.memref_squeeze %dma_wait3A_167 : memref<1x128xi32, #tpu.memory_space<vmem>> -> memref<128xi32, #tpu.memory_space<vmem>>
          %dma_wait3A_169 = arith.constant 0 : i32
          %dma_wait3A_170 = arith.constant 0 : i32
          %dma_wait3A_171 = tpu.memref_slice %arg15[%dma_wait3A_169, %dma_wait3A_170] : memref<10240x128xf32, #tpu.memory_space<vmem_shared>> -> memref<10240x128xf32, #tpu.memory_space<vmem_shared>>
          tpu.wait_indirect_dma semaphore(%arg20 : memref<!tpu.dma_semaphore, #tpu.memory_space<semaphore_mem>>) src(%arg14 : memref<128x128xf32, #tpu.memory_space<vmem>>) dst(%dma_wait3A_171 : memref<10240x128xf32, #tpu.memory_space<vmem_shared>>)
        } else {
        }
      }
    }
    %while3A_50 = arith.constant 1 : i32
    scf.for %while3A_62 = %while3A_48 to %while3A_44 step %while3A_50  : i32 {
      %mul3A_63 = arith.constant 40 : i32
      %mul3A_64 = arith.muli %while3A_62, %mul3A_63 : i32
      %add3A_65 = arith.addi %select_n3A_19, %mul3A_64 : i32
      %mul3A_66 = arith.constant 40 : i32
      %mul3A_67 = arith.muli %while3A_62, %mul3A_66 : i32
      %sub3A_68 = arith.subi %select_n3A, %mul3A_67 : i32
      %min3A = arith.constant 40 : i32
      %min3A_69 = arith.minsi %sub3A_68, %min3A : i32
      %jit3A_70 = arith.constant 2 : i32
      %div3A_71 = arith.divsi %min3A_69, %jit3A_70 : i32
      %sign3A_72 = arith.constant 0 : i32
      %sign3A_73 = arith.cmpi sgt, %min3A_69, %sign3A_72 : i32
      %sign3A_74 = arith.extui %sign3A_73 : i1 to i32
      %sign3A_75 = arith.constant 0 : i32
      %sign3A_76 = arith.cmpi slt, %min3A_69, %sign3A_75 : i32
      %sign3A_77 = arith.extui %sign3A_76 : i1 to i32
      %sign3A_78 = arith.subi %sign3A_74, %sign3A_77 : i32
      %sign3A_79 = arith.constant 0 : i32
      %sign3A_80 = arith.cmpi sgt, %jit3A_70, %sign3A_79 : i32
      %sign3A_81 = arith.extui %sign3A_80 : i1 to i32
      %sign3A_82 = arith.constant 0 : i32
      %sign3A_83 = arith.cmpi slt, %jit3A_70, %sign3A_82 : i32
      %sign3A_84 = arith.extui %sign3A_83 : i1 to i32
      %sign3A_85 = arith.subi %sign3A_81, %sign3A_84 : i32
      %ne3A_86 = arith.cmpi ne, %sign3A_78, %sign3A_85 : i32
      %rem3A_87 = arith.remsi %min3A_69, %jit3A_70 : i32
      %ne3A_88 = arith.constant 0 : i32
      %ne3A_89 = arith.cmpi ne, %rem3A_87, %ne3A_88 : i32
      %and3A_90 = arith.andi %ne3A_86, %ne3A_89 : i1
      %sub3A_91 = arith.constant 1 : i32
      %sub3A_92 = arith.subi %div3A_71, %sub3A_91 : i32
      %select_n3A_93 = arith.select %and3A_90, %sub3A_92, %div3A_71 : i32
      "tpu.region"() ({
        %run_scoped3A = tpu.sem_alloc : memref<!tpu.dma_semaphore, #tpu.memory_space<semaphore_mem>>
        %dma_start3A_117 = arith.constant 0 : i32
        %dma_start3A_118 = tpu.memref_slice %arg2[%add3A_65, %dma_start3A_117] : memref<1312x128xi32, #tpu.memory_space<hbm>> -> memref<40x128xi32, #tpu.memory_space<hbm>>
        %dma_start3A_119 = arith.constant 0 : i32
        %dma_start3A_120 = tpu.memref_slice %arg2[%add3A_65, %dma_start3A_119] : memref<1312x128xi32, #tpu.memory_space<hbm>> -> memref<40x128xi32, #tpu.memory_space<hbm>>
        tpu.enqueue_dma source(%dma_start3A_120 : memref<40x128xi32, #tpu.memory_space<hbm>>) target(%arg9 : memref<40x128xi32, #tpu.memory_space<vmem>>) target_semaphore(%run_scoped3A : memref<!tpu.dma_semaphore, #tpu.memory_space<semaphore_mem>>)
        %dma_wait3A = arith.constant 0 : i32
        %dma_wait3A_121 = tpu.memref_slice %arg2[%add3A_65, %dma_wait3A] : memref<1312x128xi32, #tpu.memory_space<hbm>> -> memref<40x128xi32, #tpu.memory_space<hbm>>
        %dma_wait3A_122 = arith.constant 0 : i32
        %dma_wait3A_123 = tpu.memref_slice %arg2[%add3A_65, %dma_wait3A_122] : memref<1312x128xi32, #tpu.memory_space<hbm>> -> memref<40x128xi32, #tpu.memory_space<hbm>>
        tpu.wait_dma2 semaphore(%run_scoped3A : memref<!tpu.dma_semaphore, #tpu.memory_space<semaphore_mem>>) src(%dma_wait3A_123 : memref<40x128xi32, #tpu.memory_space<hbm>>) dst(%arg9 : memref<40x128xi32, #tpu.memory_space<vmem>>)
        tpu.yield
      }) : () -> ()
      "tpu.region"() ({
        %run_scoped3A = tpu.sem_alloc : memref<!tpu.dma_semaphore, #tpu.memory_space<semaphore_mem>>
        %dma_start3A_117 = arith.constant 0 : i32
        %dma_start3A_118 = tpu.memref_slice %arg3[%add3A_65, %dma_start3A_117] : memref<1312x128xi32, #tpu.memory_space<hbm>> -> memref<40x128xi32, #tpu.memory_space<hbm>>
        %dma_start3A_119 = arith.constant 0 : i32
        %dma_start3A_120 = tpu.memref_slice %arg3[%add3A_65, %dma_start3A_119] : memref<1312x128xi32, #tpu.memory_space<hbm>> -> memref<40x128xi32, #tpu.memory_space<hbm>>
        tpu.enqueue_dma source(%dma_start3A_120 : memref<40x128xi32, #tpu.memory_space<hbm>>) target(%arg10 : memref<40x128xi32, #tpu.memory_space<vmem>>) target_semaphore(%run_scoped3A : memref<!tpu.dma_semaphore, #tpu.memory_space<semaphore_mem>>)
        %dma_wait3A = arith.constant 0 : i32
        %dma_wait3A_121 = tpu.memref_slice %arg3[%add3A_65, %dma_wait3A] : memref<1312x128xi32, #tpu.memory_space<hbm>> -> memref<40x128xi32, #tpu.memory_space<hbm>>
        %dma_wait3A_122 = arith.constant 0 : i32
        %dma_wait3A_123 = tpu.memref_slice %arg3[%add3A_65, %dma_wait3A_122] : memref<1312x128xi32, #tpu.memory_space<hbm>> -> memref<40x128xi32, #tpu.memory_space<hbm>>
        tpu.wait_dma2 semaphore(%run_scoped3A : memref<!tpu.dma_semaphore, #tpu.memory_space<semaphore_mem>>) src(%dma_wait3A_123 : memref<40x128xi32, #tpu.memory_space<hbm>>) dst(%arg10 : memref<40x128xi32, #tpu.memory_space<vmem>>)
        tpu.yield
      }) : () -> ()
      %dma_start3A = arith.constant 0 : i32
      %dma_start3A_94 = arith.constant 0 : i32
      %dma_start3A_95 = tpu.memref_slice %arg9[%dma_start3A, %dma_start3A_94] : memref<40x128xi32, #tpu.memory_space<vmem>> -> memref<1x128xi32, #tpu.memory_space<vmem>>
      %dma_start3A_96 = tpu.memref_squeeze %dma_start3A_95 : memref<1x128xi32, #tpu.memory_space<vmem>> -> memref<128xi32, #tpu.memory_space<vmem>>
      %dma_start3A_97 = arith.constant 0 : i32
      %dma_start3A_98 = arith.constant 0 : i32
      %dma_start3A_99 = tpu.memref_slice %arg4[%dma_start3A_97, %dma_start3A_98] : memref<10240x128xf32, #tpu.memory_space<hbm>> -> memref<10240x128xf32, #tpu.memory_space<hbm>>
      tpu.enqueue_indirect_dma source(%dma_start3A_99 : memref<10240x128xf32, #tpu.memory_space<hbm>>) target(%arg13 : memref<128x128xf32, #tpu.memory_space<vmem>>) offsets(%dma_start3A_96 : memref<128xi32, #tpu.memory_space<vmem>>) semaphore(%arg17 : memref<!tpu.dma_semaphore, #tpu.memory_space<semaphore_mem>>)
      %dma_start3A_100 = arith.constant 1 : i32
      %dma_start3A_101 = arith.constant 0 : i32
      %dma_start3A_102 = tpu.memref_slice %arg9[%dma_start3A_100, %dma_start3A_101] : memref<40x128xi32, #tpu.memory_space<vmem>> -> memref<1x128xi32, #tpu.memory_space<vmem>>
      %dma_start3A_103 = tpu.memref_squeeze %dma_start3A_102 : memref<1x128xi32, #tpu.memory_space<vmem>> -> memref<128xi32, #tpu.memory_space<vmem>>
      %dma_start3A_104 = arith.constant 0 : i32
      %dma_start3A_105 = arith.constant 0 : i32
      %dma_start3A_106 = tpu.memref_slice %arg4[%dma_start3A_104, %dma_start3A_105] : memref<10240x128xf32, #tpu.memory_space<hbm>> -> memref<10240x128xf32, #tpu.memory_space<hbm>>
      tpu.enqueue_indirect_dma source(%dma_start3A_106 : memref<10240x128xf32, #tpu.memory_space<hbm>>) target(%arg14 : memref<128x128xf32, #tpu.memory_space<vmem>>) offsets(%dma_start3A_103 : memref<128xi32, #tpu.memory_space<vmem>>) semaphore(%arg18 : memref<!tpu.dma_semaphore, #tpu.memory_space<semaphore_mem>>)
      %while3A_107 = arith.constant 0 : i32
      %while3A_108 = arith.constant 0 : i32
      %while3A_109 = arith.subi %select_n3A_93, %while3A_108 : i32
      %while3A_110 = arith.addi %while3A_108, %while3A_109 : i32
      %while3A_111 = arith.constant 1 : i32
      %while3A_112 = arith.divsi %while3A_109, %while3A_111 : i32
      %while3A_113 = arith.muli %while3A_112, %while3A_111 : i32
      %while3A_114 = arith.addi %while3A_108, %while3A_113 : i32
      %while3A_115 = arith.constant 1 : i32
      scf.for %while3A_117 = %while3A_108 to %while3A_114 step %while3A_115  : i32 {
        %mul3A_118 = arith.constant 2 : i32
        %mul3A_119 = arith.muli %mul3A_118, %while3A_117 : i32
        %dma_wait3A = arith.constant 0 : i32
        %dma_wait3A_120 = arith.constant 0 : i32
        %dma_wait3A_121 = tpu.memref_slice %arg9[%dma_wait3A, %dma_wait3A_120] : memref<40x128xi32, #tpu.memory_space<vmem>> -> memref<1x128xi32, #tpu.memory_space<vmem>>
        %dma_wait3A_122 = tpu.memref_squeeze %dma_wait3A_121 : memref<1x128xi32, #tpu.memory_space<vmem>> -> memref<128xi32, #tpu.memory_space<vmem>>
        %dma_wait3A_123 = arith.constant 0 : i32
        %dma_wait3A_124 = arith.constant 0 : i32
        %dma_wait3A_125 = tpu.memref_slice %arg4[%dma_wait3A_123, %dma_wait3A_124] : memref<10240x128xf32, #tpu.memory_space<hbm>> -> memref<10240x128xf32, #tpu.memory_space<hbm>>
        tpu.wait_indirect_dma semaphore(%arg17 : memref<!tpu.dma_semaphore, #tpu.memory_space<semaphore_mem>>) src(%dma_wait3A_125 : memref<10240x128xf32, #tpu.memory_space<hbm>>) dst(%arg13 : memref<128x128xf32, #tpu.memory_space<vmem>>)
        %dma_start3A_126 = arith.constant 0 : i32
        %dma_start3A_127 = tpu.memref_slice %arg10[%mul3A_119, %dma_start3A_126] : memref<40x128xi32, #tpu.memory_space<vmem>> -> memref<1x128xi32, #tpu.memory_space<vmem>>
        %dma_start3A_128 = tpu.memref_squeeze %dma_start3A_127 : memref<1x128xi32, #tpu.memory_space<vmem>> -> memref<128xi32, #tpu.memory_space<vmem>>
        %dma_start3A_129 = arith.constant 0 : i32
        %dma_start3A_130 = arith.constant 0 : i32
        %dma_start3A_131 = tpu.memref_slice %arg15[%dma_start3A_129, %dma_start3A_130] : memref<10240x128xf32, #tpu.memory_space<vmem_shared>> -> memref<10240x128xf32, #tpu.memory_space<vmem_shared>>
        tpu.enqueue_indirect_dma source(%arg13 : memref<128x128xf32, #tpu.memory_space<vmem>>) target(%dma_start3A_131 : memref<10240x128xf32, #tpu.memory_space<vmem_shared>>) offsets(%dma_start3A_128 : memref<128xi32, #tpu.memory_space<vmem>>) semaphore(%arg19 : memref<!tpu.dma_semaphore, #tpu.memory_space<semaphore_mem>>) {add = true}
        %dma_wait3A_132 = arith.constant 0 : i32
        %dma_wait3A_133 = arith.constant 0 : i32
        %dma_wait3A_134 = tpu.memref_slice %arg9[%dma_wait3A_132, %dma_wait3A_133] : memref<40x128xi32, #tpu.memory_space<vmem>> -> memref<1x128xi32, #tpu.memory_space<vmem>>
        %dma_wait3A_135 = tpu.memref_squeeze %dma_wait3A_134 : memref<1x128xi32, #tpu.memory_space<vmem>> -> memref<128xi32, #tpu.memory_space<vmem>>
        %dma_wait3A_136 = arith.constant 0 : i32
        %dma_wait3A_137 = arith.constant 0 : i32
        %dma_wait3A_138 = tpu.memref_slice %arg4[%dma_wait3A_136, %dma_wait3A_137] : memref<10240x128xf32, #tpu.memory_space<hbm>> -> memref<10240x128xf32, #tpu.memory_space<hbm>>
        tpu.wait_indirect_dma semaphore(%arg18 : memref<!tpu.dma_semaphore, #tpu.memory_space<semaphore_mem>>) src(%dma_wait3A_138 : memref<10240x128xf32, #tpu.memory_space<hbm>>) dst(%arg14 : memref<128x128xf32, #tpu.memory_space<vmem>>)
        %add3A_139 = arith.constant 1 : i32
        %add3A_140 = arith.addi %mul3A_119, %add3A_139 : i32
        %dma_start3A_141 = arith.constant 0 : i32
        %dma_start3A_142 = tpu.memref_slice %arg10[%add3A_140, %dma_start3A_141] : memref<40x128xi32, #tpu.memory_space<vmem>> -> memref<1x128xi32, #tpu.memory_space<vmem>>
        %dma_start3A_143 = tpu.memref_squeeze %dma_start3A_142 : memref<1x128xi32, #tpu.memory_space<vmem>> -> memref<128xi32, #tpu.memory_space<vmem>>
        %dma_start3A_144 = arith.constant 0 : i32
        %dma_start3A_145 = arith.constant 0 : i32
        %dma_start3A_146 = tpu.memref_slice %arg15[%dma_start3A_144, %dma_start3A_145] : memref<10240x128xf32, #tpu.memory_space<vmem_shared>> -> memref<10240x128xf32, #tpu.memory_space<vmem_shared>>
        tpu.enqueue_indirect_dma source(%arg14 : memref<128x128xf32, #tpu.memory_space<vmem>>) target(%dma_start3A_146 : memref<10240x128xf32, #tpu.memory_space<vmem_shared>>) offsets(%dma_start3A_143 : memref<128xi32, #tpu.memory_space<vmem>>) semaphore(%arg20 : memref<!tpu.dma_semaphore, #tpu.memory_space<semaphore_mem>>) {add = true}
        %sub3A_147 = arith.constant 1 : i32
        %sub3A_148 = arith.subi %select_n3A_93, %sub3A_147 : i32
        %lt3A = arith.cmpi slt, %while3A_117, %sub3A_148 : i32
        %convert_element_type3A_149 = arith.extui %lt3A : i1 to i32
        %cond3A_150 = arith.constant 0 : i32
        %cond3A_151 = arith.cmpi ne, %convert_element_type3A_149, %cond3A_150 : i32
        scf.if %cond3A_151 {
          %dma_wait3A_158 = arith.constant 0 : i32
          %dma_wait3A_159 = arith.constant 0 : i32
          %dma_wait3A_160 = tpu.memref_slice %arg10[%dma_wait3A_158, %dma_wait3A_159] : memref<40x128xi32, #tpu.memory_space<vmem>> -> memref<1x128xi32, #tpu.memory_space<vmem>>
          %dma_wait3A_161 = tpu.memref_squeeze %dma_wait3A_160 : memref<1x128xi32, #tpu.memory_space<vmem>> -> memref<128xi32, #tpu.memory_space<vmem>>
          %dma_wait3A_162 = arith.constant 0 : i32
          %dma_wait3A_163 = arith.constant 0 : i32
          %dma_wait3A_164 = tpu.memref_slice %arg15[%dma_wait3A_162, %dma_wait3A_163] : memref<10240x128xf32, #tpu.memory_space<vmem_shared>> -> memref<10240x128xf32, #tpu.memory_space<vmem_shared>>
          tpu.wait_indirect_dma semaphore(%arg19 : memref<!tpu.dma_semaphore, #tpu.memory_space<semaphore_mem>>) src(%arg13 : memref<128x128xf32, #tpu.memory_space<vmem>>) dst(%dma_wait3A_164 : memref<10240x128xf32, #tpu.memory_space<vmem_shared>>)
          %add3A_165 = arith.constant 2 : i32
          %add3A_166 = arith.addi %mul3A_119, %add3A_165 : i32
          %dma_start3A_167 = arith.constant 0 : i32
          %dma_start3A_168 = tpu.memref_slice %arg9[%add3A_166, %dma_start3A_167] : memref<40x128xi32, #tpu.memory_space<vmem>> -> memref<1x128xi32, #tpu.memory_space<vmem>>
          %dma_start3A_169 = tpu.memref_squeeze %dma_start3A_168 : memref<1x128xi32, #tpu.memory_space<vmem>> -> memref<128xi32, #tpu.memory_space<vmem>>
          %dma_start3A_170 = arith.constant 0 : i32
          %dma_start3A_171 = arith.constant 0 : i32
          %dma_start3A_172 = tpu.memref_slice %arg4[%dma_start3A_170, %dma_start3A_171] : memref<10240x128xf32, #tpu.memory_space<hbm>> -> memref<10240x128xf32, #tpu.memory_space<hbm>>
          tpu.enqueue_indirect_dma source(%dma_start3A_172 : memref<10240x128xf32, #tpu.memory_space<hbm>>) target(%arg13 : memref<128x128xf32, #tpu.memory_space<vmem>>) offsets(%dma_start3A_169 : memref<128xi32, #tpu.memory_space<vmem>>) semaphore(%arg17 : memref<!tpu.dma_semaphore, #tpu.memory_space<semaphore_mem>>)
          %dma_wait3A_173 = arith.constant 0 : i32
          %dma_wait3A_174 = arith.constant 0 : i32
          %dma_wait3A_175 = tpu.memref_slice %arg10[%dma_wait3A_173, %dma_wait3A_174] : memref<40x128xi32, #tpu.memory_space<vmem>> -> memref<1x128xi32, #tpu.memory_space<vmem>>
          %dma_wait3A_176 = tpu.memref_squeeze %dma_wait3A_175 : memref<1x128xi32, #tpu.memory_space<vmem>> -> memref<128xi32, #tpu.memory_space<vmem>>
          %dma_wait3A_177 = arith.constant 0 : i32
          %dma_wait3A_178 = arith.constant 0 : i32
          %dma_wait3A_179 = tpu.memref_slice %arg15[%dma_wait3A_177, %dma_wait3A_178] : memref<10240x128xf32, #tpu.memory_space<vmem_shared>> -> memref<10240x128xf32, #tpu.memory_space<vmem_shared>>
          tpu.wait_indirect_dma semaphore(%arg20 : memref<!tpu.dma_semaphore, #tpu.memory_space<semaphore_mem>>) src(%arg14 : memref<128x128xf32, #tpu.memory_space<vmem>>) dst(%dma_wait3A_179 : memref<10240x128xf32, #tpu.memory_space<vmem_shared>>)
          %add3A_180 = arith.constant 3 : i32
          %add3A_181 = arith.addi %mul3A_119, %add3A_180 : i32
          %dma_start3A_182 = arith.constant 0 : i32
          %dma_start3A_183 = tpu.memref_slice %arg9[%add3A_181, %dma_start3A_182] : memref<40x128xi32, #tpu.memory_space<vmem>> -> memref<1x128xi32, #tpu.memory_space<vmem>>
          %dma_start3A_184 = tpu.memref_squeeze %dma_start3A_183 : memref<1x128xi32, #tpu.memory_space<vmem>> -> memref<128xi32, #tpu.memory_space<vmem>>
          %dma_start3A_185 = arith.constant 0 : i32
          %dma_start3A_186 = arith.constant 0 : i32
          %dma_start3A_187 = tpu.memref_slice %arg4[%dma_start3A_185, %dma_start3A_186] : memref<10240x128xf32, #tpu.memory_space<hbm>> -> memref<10240x128xf32, #tpu.memory_space<hbm>>
          tpu.enqueue_indirect_dma source(%dma_start3A_187 : memref<10240x128xf32, #tpu.memory_space<hbm>>) target(%arg14 : memref<128x128xf32, #tpu.memory_space<vmem>>) offsets(%dma_start3A_184 : memref<128xi32, #tpu.memory_space<vmem>>) semaphore(%arg18 : memref<!tpu.dma_semaphore, #tpu.memory_space<semaphore_mem>>)
        } else {
        }
        %sub3A_152 = arith.constant 1 : i32
        %sub3A_153 = arith.subi %select_n3A_93, %sub3A_152 : i32
        %eq3A_154 = arith.cmpi eq, %while3A_117, %sub3A_153 : i32
        %convert_element_type3A_155 = arith.extui %eq3A_154 : i1 to i32
        %cond3A_156 = arith.constant 0 : i32
        %cond3A_157 = arith.cmpi ne, %convert_element_type3A_155, %cond3A_156 : i32
        scf.if %cond3A_157 {
          %dma_wait3A_158 = arith.constant 0 : i32
          %dma_wait3A_159 = arith.constant 0 : i32
          %dma_wait3A_160 = tpu.memref_slice %arg10[%dma_wait3A_158, %dma_wait3A_159] : memref<40x128xi32, #tpu.memory_space<vmem>> -> memref<1x128xi32, #tpu.memory_space<vmem>>
          %dma_wait3A_161 = tpu.memref_squeeze %dma_wait3A_160 : memref<1x128xi32, #tpu.memory_space<vmem>> -> memref<128xi32, #tpu.memory_space<vmem>>
          %dma_wait3A_162 = arith.constant 0 : i32
          %dma_wait3A_163 = arith.constant 0 : i32
          %dma_wait3A_164 = tpu.memref_slice %arg15[%dma_wait3A_162, %dma_wait3A_163] : memref<10240x128xf32, #tpu.memory_space<vmem_shared>> -> memref<10240x128xf32, #tpu.memory_space<vmem_shared>>
          tpu.wait_indirect_dma semaphore(%arg19 : memref<!tpu.dma_semaphore, #tpu.memory_space<semaphore_mem>>) src(%arg13 : memref<128x128xf32, #tpu.memory_space<vmem>>) dst(%dma_wait3A_164 : memref<10240x128xf32, #tpu.memory_space<vmem_shared>>)
          %dma_wait3A_165 = arith.constant 0 : i32
          %dma_wait3A_166 = arith.constant 0 : i32
          %dma_wait3A_167 = tpu.memref_slice %arg10[%dma_wait3A_165, %dma_wait3A_166] : memref<40x128xi32, #tpu.memory_space<vmem>> -> memref<1x128xi32, #tpu.memory_space<vmem>>
          %dma_wait3A_168 = tpu.memref_squeeze %dma_wait3A_167 : memref<1x128xi32, #tpu.memory_space<vmem>> -> memref<128xi32, #tpu.memory_space<vmem>>
          %dma_wait3A_169 = arith.constant 0 : i32
          %dma_wait3A_170 = arith.constant 0 : i32
          %dma_wait3A_171 = tpu.memref_slice %arg15[%dma_wait3A_169, %dma_wait3A_170] : memref<10240x128xf32, #tpu.memory_space<vmem_shared>> -> memref<10240x128xf32, #tpu.memory_space<vmem_shared>>
          tpu.wait_indirect_dma semaphore(%arg20 : memref<!tpu.dma_semaphore, #tpu.memory_space<semaphore_mem>>) src(%arg14 : memref<128x128xf32, #tpu.memory_space<vmem>>) dst(%dma_wait3A_171 : memref<10240x128xf32, #tpu.memory_space<vmem_shared>>)
        } else {
        }
      }
      %while3A_116 = arith.constant 1 : i32
      scf.for %while3A_117 = %while3A_114 to %while3A_110 step %while3A_116  : i32 {
        %mul3A_118 = arith.constant 2 : i32
        %mul3A_119 = arith.muli %mul3A_118, %while3A_117 : i32
        %dma_wait3A = arith.constant 0 : i32
        %dma_wait3A_120 = arith.constant 0 : i32
        %dma_wait3A_121 = tpu.memref_slice %arg9[%dma_wait3A, %dma_wait3A_120] : memref<40x128xi32, #tpu.memory_space<vmem>> -> memref<1x128xi32, #tpu.memory_space<vmem>>
        %dma_wait3A_122 = tpu.memref_squeeze %dma_wait3A_121 : memref<1x128xi32, #tpu.memory_space<vmem>> -> memref<128xi32, #tpu.memory_space<vmem>>
        %dma_wait3A_123 = arith.constant 0 : i32
        %dma_wait3A_124 = arith.constant 0 : i32
        %dma_wait3A_125 = tpu.memref_slice %arg4[%dma_wait3A_123, %dma_wait3A_124] : memref<10240x128xf32, #tpu.memory_space<hbm>> -> memref<10240x128xf32, #tpu.memory_space<hbm>>
        tpu.wait_indirect_dma semaphore(%arg17 : memref<!tpu.dma_semaphore, #tpu.memory_space<semaphore_mem>>) src(%dma_wait3A_125 : memref<10240x128xf32, #tpu.memory_space<hbm>>) dst(%arg13 : memref<128x128xf32, #tpu.memory_space<vmem>>)
        %dma_start3A_126 = arith.constant 0 : i32
        %dma_start3A_127 = tpu.memref_slice %arg10[%mul3A_119, %dma_start3A_126] : memref<40x128xi32, #tpu.memory_space<vmem>> -> memref<1x128xi32, #tpu.memory_space<vmem>>
        %dma_start3A_128 = tpu.memref_squeeze %dma_start3A_127 : memref<1x128xi32, #tpu.memory_space<vmem>> -> memref<128xi32, #tpu.memory_space<vmem>>
        %dma_start3A_129 = arith.constant 0 : i32
        %dma_start3A_130 = arith.constant 0 : i32
        %dma_start3A_131 = tpu.memref_slice %arg15[%dma_start3A_129, %dma_start3A_130] : memref<10240x128xf32, #tpu.memory_space<vmem_shared>> -> memref<10240x128xf32, #tpu.memory_space<vmem_shared>>
        tpu.enqueue_indirect_dma source(%arg13 : memref<128x128xf32, #tpu.memory_space<vmem>>) target(%dma_start3A_131 : memref<10240x128xf32, #tpu.memory_space<vmem_shared>>) offsets(%dma_start3A_128 : memref<128xi32, #tpu.memory_space<vmem>>) semaphore(%arg19 : memref<!tpu.dma_semaphore, #tpu.memory_space<semaphore_mem>>) {add = true}
        %dma_wait3A_132 = arith.constant 0 : i32
        %dma_wait3A_133 = arith.constant 0 : i32
        %dma_wait3A_134 = tpu.memref_slice %arg9[%dma_wait3A_132, %dma_wait3A_133] : memref<40x128xi32, #tpu.memory_space<vmem>> -> memref<1x128xi32, #tpu.memory_space<vmem>>
        %dma_wait3A_135 = tpu.memref_squeeze %dma_wait3A_134 : memref<1x128xi32, #tpu.memory_space<vmem>> -> memref<128xi32, #tpu.memory_space<vmem>>
        %dma_wait3A_136 = arith.constant 0 : i32
        %dma_wait3A_137 = arith.constant 0 : i32
        %dma_wait3A_138 = tpu.memref_slice %arg4[%dma_wait3A_136, %dma_wait3A_137] : memref<10240x128xf32, #tpu.memory_space<hbm>> -> memref<10240x128xf32, #tpu.memory_space<hbm>>
        tpu.wait_indirect_dma semaphore(%arg18 : memref<!tpu.dma_semaphore, #tpu.memory_space<semaphore_mem>>) src(%dma_wait3A_138 : memref<10240x128xf32, #tpu.memory_space<hbm>>) dst(%arg14 : memref<128x128xf32, #tpu.memory_space<vmem>>)
        %add3A_139 = arith.constant 1 : i32
        %add3A_140 = arith.addi %mul3A_119, %add3A_139 : i32
        %dma_start3A_141 = arith.constant 0 : i32
        %dma_start3A_142 = tpu.memref_slice %arg10[%add3A_140, %dma_start3A_141] : memref<40x128xi32, #tpu.memory_space<vmem>> -> memref<1x128xi32, #tpu.memory_space<vmem>>
        %dma_start3A_143 = tpu.memref_squeeze %dma_start3A_142 : memref<1x128xi32, #tpu.memory_space<vmem>> -> memref<128xi32, #tpu.memory_space<vmem>>
        %dma_start3A_144 = arith.constant 0 : i32
        %dma_start3A_145 = arith.constant 0 : i32
        %dma_start3A_146 = tpu.memref_slice %arg15[%dma_start3A_144, %dma_start3A_145] : memref<10240x128xf32, #tpu.memory_space<vmem_shared>> -> memref<10240x128xf32, #tpu.memory_space<vmem_shared>>
        tpu.enqueue_indirect_dma source(%arg14 : memref<128x128xf32, #tpu.memory_space<vmem>>) target(%dma_start3A_146 : memref<10240x128xf32, #tpu.memory_space<vmem_shared>>) offsets(%dma_start3A_143 : memref<128xi32, #tpu.memory_space<vmem>>) semaphore(%arg20 : memref<!tpu.dma_semaphore, #tpu.memory_space<semaphore_mem>>) {add = true}
        %sub3A_147 = arith.constant 1 : i32
        %sub3A_148 = arith.subi %select_n3A_93, %sub3A_147 : i32
        %lt3A = arith.cmpi slt, %while3A_117, %sub3A_148 : i32
        %convert_element_type3A_149 = arith.extui %lt3A : i1 to i32
        %cond3A_150 = arith.constant 0 : i32
        %cond3A_151 = arith.cmpi ne, %convert_element_type3A_149, %cond3A_150 : i32
        scf.if %cond3A_151 {
          %dma_wait3A_158 = arith.constant 0 : i32
          %dma_wait3A_159 = arith.constant 0 : i32
          %dma_wait3A_160 = tpu.memref_slice %arg10[%dma_wait3A_158, %dma_wait3A_159] : memref<40x128xi32, #tpu.memory_space<vmem>> -> memref<1x128xi32, #tpu.memory_space<vmem>>
          %dma_wait3A_161 = tpu.memref_squeeze %dma_wait3A_160 : memref<1x128xi32, #tpu.memory_space<vmem>> -> memref<128xi32, #tpu.memory_space<vmem>>
          %dma_wait3A_162 = arith.constant 0 : i32
          %dma_wait3A_163 = arith.constant 0 : i32
          %dma_wait3A_164 = tpu.memref_slice %arg15[%dma_wait3A_162, %dma_wait3A_163] : memref<10240x128xf32, #tpu.memory_space<vmem_shared>> -> memref<10240x128xf32, #tpu.memory_space<vmem_shared>>
          tpu.wait_indirect_dma semaphore(%arg19 : memref<!tpu.dma_semaphore, #tpu.memory_space<semaphore_mem>>) src(%arg13 : memref<128x128xf32, #tpu.memory_space<vmem>>) dst(%dma_wait3A_164 : memref<10240x128xf32, #tpu.memory_space<vmem_shared>>)
          %add3A_165 = arith.constant 2 : i32
          %add3A_166 = arith.addi %mul3A_119, %add3A_165 : i32
          %dma_start3A_167 = arith.constant 0 : i32
          %dma_start3A_168 = tpu.memref_slice %arg9[%add3A_166, %dma_start3A_167] : memref<40x128xi32, #tpu.memory_space<vmem>> -> memref<1x128xi32, #tpu.memory_space<vmem>>
          %dma_start3A_169 = tpu.memref_squeeze %dma_start3A_168 : memref<1x128xi32, #tpu.memory_space<vmem>> -> memref<128xi32, #tpu.memory_space<vmem>>
          %dma_start3A_170 = arith.constant 0 : i32
          %dma_start3A_171 = arith.constant 0 : i32
          %dma_start3A_172 = tpu.memref_slice %arg4[%dma_start3A_170, %dma_start3A_171] : memref<10240x128xf32, #tpu.memory_space<hbm>> -> memref<10240x128xf32, #tpu.memory_space<hbm>>
          tpu.enqueue_indirect_dma source(%dma_start3A_172 : memref<10240x128xf32, #tpu.memory_space<hbm>>) target(%arg13 : memref<128x128xf32, #tpu.memory_space<vmem>>) offsets(%dma_start3A_169 : memref<128xi32, #tpu.memory_space<vmem>>) semaphore(%arg17 : memref<!tpu.dma_semaphore, #tpu.memory_space<semaphore_mem>>)
          %dma_wait3A_173 = arith.constant 0 : i32
          %dma_wait3A_174 = arith.constant 0 : i32
          %dma_wait3A_175 = tpu.memref_slice %arg10[%dma_wait3A_173, %dma_wait3A_174] : memref<40x128xi32, #tpu.memory_space<vmem>> -> memref<1x128xi32, #tpu.memory_space<vmem>>
          %dma_wait3A_176 = tpu.memref_squeeze %dma_wait3A_175 : memref<1x128xi32, #tpu.memory_space<vmem>> -> memref<128xi32, #tpu.memory_space<vmem>>
          %dma_wait3A_177 = arith.constant 0 : i32
          %dma_wait3A_178 = arith.constant 0 : i32
          %dma_wait3A_179 = tpu.memref_slice %arg15[%dma_wait3A_177, %dma_wait3A_178] : memref<10240x128xf32, #tpu.memory_space<vmem_shared>> -> memref<10240x128xf32, #tpu.memory_space<vmem_shared>>
          tpu.wait_indirect_dma semaphore(%arg20 : memref<!tpu.dma_semaphore, #tpu.memory_space<semaphore_mem>>) src(%arg14 : memref<128x128xf32, #tpu.memory_space<vmem>>) dst(%dma_wait3A_179 : memref<10240x128xf32, #tpu.memory_space<vmem_shared>>)
          %add3A_180 = arith.constant 3 : i32
          %add3A_181 = arith.addi %mul3A_119, %add3A_180 : i32
          %dma_start3A_182 = arith.constant 0 : i32
          %dma_start3A_183 = tpu.memref_slice %arg9[%add3A_181, %dma_start3A_182] : memref<40x128xi32, #tpu.memory_space<vmem>> -> memref<1x128xi32, #tpu.memory_space<vmem>>
          %dma_start3A_184 = tpu.memref_squeeze %dma_start3A_183 : memref<1x128xi32, #tpu.memory_space<vmem>> -> memref<128xi32, #tpu.memory_space<vmem>>
          %dma_start3A_185 = arith.constant 0 : i32
          %dma_start3A_186 = arith.constant 0 : i32
          %dma_start3A_187 = tpu.memref_slice %arg4[%dma_start3A_185, %dma_start3A_186] : memref<10240x128xf32, #tpu.memory_space<hbm>> -> memref<10240x128xf32, #tpu.memory_space<hbm>>
          tpu.enqueue_indirect_dma source(%dma_start3A_187 : memref<10240x128xf32, #tpu.memory_space<hbm>>) target(%arg14 : memref<128x128xf32, #tpu.memory_space<vmem>>) offsets(%dma_start3A_184 : memref<128xi32, #tpu.memory_space<vmem>>) semaphore(%arg18 : memref<!tpu.dma_semaphore, #tpu.memory_space<semaphore_mem>>)
        } else {
        }
        %sub3A_152 = arith.constant 1 : i32
        %sub3A_153 = arith.subi %select_n3A_93, %sub3A_152 : i32
        %eq3A_154 = arith.cmpi eq, %while3A_117, %sub3A_153 : i32
        %convert_element_type3A_155 = arith.extui %eq3A_154 : i1 to i32
        %cond3A_156 = arith.constant 0 : i32
        %cond3A_157 = arith.cmpi ne, %convert_element_type3A_155, %cond3A_156 : i32
        scf.if %cond3A_157 {
          %dma_wait3A_158 = arith.constant 0 : i32
          %dma_wait3A_159 = arith.constant 0 : i32
          %dma_wait3A_160 = tpu.memref_slice %arg10[%dma_wait3A_158, %dma_wait3A_159] : memref<40x128xi32, #tpu.memory_space<vmem>> -> memref<1x128xi32, #tpu.memory_space<vmem>>
          %dma_wait3A_161 = tpu.memref_squeeze %dma_wait3A_160 : memref<1x128xi32, #tpu.memory_space<vmem>> -> memref<128xi32, #tpu.memory_space<vmem>>
          %dma_wait3A_162 = arith.constant 0 : i32
          %dma_wait3A_163 = arith.constant 0 : i32
          %dma_wait3A_164 = tpu.memref_slice %arg15[%dma_wait3A_162, %dma_wait3A_163] : memref<10240x128xf32, #tpu.memory_space<vmem_shared>> -> memref<10240x128xf32, #tpu.memory_space<vmem_shared>>
          tpu.wait_indirect_dma semaphore(%arg19 : memref<!tpu.dma_semaphore, #tpu.memory_space<semaphore_mem>>) src(%arg13 : memref<128x128xf32, #tpu.memory_space<vmem>>) dst(%dma_wait3A_164 : memref<10240x128xf32, #tpu.memory_space<vmem_shared>>)
          %dma_wait3A_165 = arith.constant 0 : i32
          %dma_wait3A_166 = arith.constant 0 : i32
          %dma_wait3A_167 = tpu.memref_slice %arg10[%dma_wait3A_165, %dma_wait3A_166] : memref<40x128xi32, #tpu.memory_space<vmem>> -> memref<1x128xi32, #tpu.memory_space<vmem>>
          %dma_wait3A_168 = tpu.memref_squeeze %dma_wait3A_167 : memref<1x128xi32, #tpu.memory_space<vmem>> -> memref<128xi32, #tpu.memory_space<vmem>>
          %dma_wait3A_169 = arith.constant 0 : i32
          %dma_wait3A_170 = arith.constant 0 : i32
          %dma_wait3A_171 = tpu.memref_slice %arg15[%dma_wait3A_169, %dma_wait3A_170] : memref<10240x128xf32, #tpu.memory_space<vmem_shared>> -> memref<10240x128xf32, #tpu.memory_space<vmem_shared>>
          tpu.wait_indirect_dma semaphore(%arg20 : memref<!tpu.dma_semaphore, #tpu.memory_space<semaphore_mem>>) src(%arg14 : memref<128x128xf32, #tpu.memory_space<vmem>>) dst(%dma_wait3A_171 : memref<10240x128xf32, #tpu.memory_space<vmem_shared>>)
        } else {
        }
      }
    }
    %barrier3A_51 = arith.constant 0 : index
    tpu.barrier barrier_id(%barrier3A_51)
    "tpu.trace_stop"() : () -> ()
    "tpu.trace_start"() <{level = 10 : i32, message = "write_phase"}> : () -> ()
    %scan3A = arith.constant 0 : i32
    %scan3A_52 = arith.constant 0 : i32
    %scan3A_53 = arith.constant 5 : i32
    %scan3A_54 = arith.addi %scan3A_52, %scan3A_53 : i32
    %scan3A_55 = arith.constant 1 : i32
    scf.for %scan3A_62 = %scan3A_52 to %scan3A_54 step %scan3A_55  : i32 {
      %mul3A_63 = arith.constant 640 : i32
      %mul3A_64 = arith.muli %arg1, %mul3A_63 : i32
      %mul3A_65 = arith.constant 128 : i32
      %mul3A_66 = arith.muli %scan3A_62, %mul3A_65 : i32
      %add3A_67 = arith.addi %mul3A_64, %mul3A_66 : i32
      "tpu.region"() ({
        %run_scoped3A = tpu.sem_alloc : memref<!tpu.dma_semaphore, #tpu.memory_space<semaphore_mem>>
        %dma_start3A = arith.constant 0 : i32
        %dma_start3A_68 = tpu.memref_slice %arg15[%add3A_67, %dma_start3A] : memref<10240x128xf32, #tpu.memory_space<vmem_shared>> -> memref<128x128xf32, #tpu.memory_space<vmem_shared>>
        %dma_start3A_69 = arith.constant 0 : i32
        %dma_start3A_70 = tpu.memref_slice %arg15[%add3A_67, %dma_start3A_69] : memref<10240x128xf32, #tpu.memory_space<vmem_shared>> -> memref<128x128xf32, #tpu.memory_space<vmem_shared>>
        tpu.enqueue_dma source(%dma_start3A_70 : memref<128x128xf32, #tpu.memory_space<vmem_shared>>) target(%arg13 : memref<128x128xf32, #tpu.memory_space<vmem>>) target_semaphore(%run_scoped3A : memref<!tpu.dma_semaphore, #tpu.memory_space<semaphore_mem>>)
        %dma_wait3A = arith.constant 0 : i32
        %dma_wait3A_71 = tpu.memref_slice %arg15[%add3A_67, %dma_wait3A] : memref<10240x128xf32, #tpu.memory_space<vmem_shared>> -> memref<128x128xf32, #tpu.memory_space<vmem_shared>>
        %dma_wait3A_72 = arith.constant 0 : i32
        %dma_wait3A_73 = tpu.memref_slice %arg15[%add3A_67, %dma_wait3A_72] : memref<10240x128xf32, #tpu.memory_space<vmem_shared>> -> memref<128x128xf32, #tpu.memory_space<vmem_shared>>
        tpu.wait_dma2 semaphore(%run_scoped3A : memref<!tpu.dma_semaphore, #tpu.memory_space<semaphore_mem>>) src(%dma_wait3A_73 : memref<128x128xf32, #tpu.memory_space<vmem_shared>>) dst(%arg13 : memref<128x128xf32, #tpu.memory_space<vmem>>)
        tpu.yield
      }) : () -> ()
      "tpu.region"() ({
        %run_scoped3A = tpu.sem_alloc : memref<!tpu.dma_semaphore, #tpu.memory_space<semaphore_mem>>
        %dma_start3A = arith.constant 0 : i32
        %dma_start3A_68 = tpu.memref_slice %arg7[%arg0, %add3A_67, %dma_start3A] : memref<2x10240x128xf32, #tpu.memory_space<hbm>> -> memref<1x128x128xf32, #tpu.memory_space<hbm>>
        %dma_start3A_69 = tpu.memref_squeeze %dma_start3A_68 : memref<1x128x128xf32, #tpu.memory_space<hbm>> -> memref<128x128xf32, #tpu.memory_space<hbm>>
        %dma_start3A_70 = arith.constant 0 : i32
        %dma_start3A_71 = tpu.memref_slice %arg7[%arg0, %add3A_67, %dma_start3A_70] : memref<2x10240x128xf32, #tpu.memory_space<hbm>> -> memref<1x128x128xf32, #tpu.memory_space<hbm>>
        %dma_start3A_72 = tpu.memref_squeeze %dma_start3A_71 : memref<1x128x128xf32, #tpu.memory_space<hbm>> -> memref<128x128xf32, #tpu.memory_space<hbm>>
        tpu.enqueue_dma source(%arg13 : memref<128x128xf32, #tpu.memory_space<vmem>>) target(%dma_start3A_72 : memref<128x128xf32, #tpu.memory_space<hbm>>) target_semaphore(%run_scoped3A : memref<!tpu.dma_semaphore, #tpu.memory_space<semaphore_mem>>)
        %dma_wait3A = arith.constant 0 : i32
        %dma_wait3A_73 = tpu.memref_slice %arg7[%arg0, %add3A_67, %dma_wait3A] : memref<2x10240x128xf32, #tpu.memory_space<hbm>> -> memref<1x128x128xf32, #tpu.memory_space<hbm>>
        %dma_wait3A_74 = tpu.memref_squeeze %dma_wait3A_73 : memref<1x128x128xf32, #tpu.memory_space<hbm>> -> memref<128x128xf32, #tpu.memory_space<hbm>>
        %dma_wait3A_75 = arith.constant 0 : i32
        %dma_wait3A_76 = tpu.memref_slice %arg7[%arg0, %add3A_67, %dma_wait3A_75] : memref<2x10240x128xf32, #tpu.memory_space<hbm>> -> memref<1x128x128xf32, #tpu.memory_space<hbm>>
        %dma_wait3A_77 = tpu.memref_squeeze %dma_wait3A_76 : memref<1x128x128xf32, #tpu.memory_space<hbm>> -> memref<128x128xf32, #tpu.memory_space<hbm>>
        tpu.wait_dma2 semaphore(%run_scoped3A : memref<!tpu.dma_semaphore, #tpu.memory_space<semaphore_mem>>) src(%arg13 : memref<128x128xf32, #tpu.memory_space<vmem>>) dst(%dma_wait3A_77 : memref<128x128xf32, #tpu.memory_space<hbm>>)
        tpu.yield
      }) : () -> ()
    }
    %scan3A_56 = arith.constant 5 : i32
    %eq3A_57 = arith.constant 1 : i32
    %eq3A_58 = arith.cmpi eq, %arg0, %eq3A_57 : i32
    %convert_element_type3A_59 = arith.extui %eq3A_58 : i1 to i32
    %cond3A_60 = arith.constant 0 : i32
    %cond3A_61 = arith.cmpi ne, %convert_element_type3A_59, %cond3A_60 : i32
    scf.if %cond3A_61 {
      %mul3A_62 = arith.constant 640 : i32
      %mul3A_63 = arith.muli %arg1, %mul3A_62 : i32
      "tpu.region"() ({
        %run_scoped3A = tpu.sem_alloc : memref<!tpu.dma_semaphore, #tpu.memory_space<semaphore_mem>>
        %dma_start3A = tpu.memref_slice %arg16[%mul3A_63] : memref<10240xf32, #tpu.memory_space<vmem_shared>> -> memref<640xf32, #tpu.memory_space<vmem_shared>>
        %dma_start3A_66 = tpu.memref_slice %arg16[%mul3A_63] : memref<10240xf32, #tpu.memory_space<vmem_shared>> -> memref<640xf32, #tpu.memory_space<vmem_shared>>
        tpu.enqueue_dma source(%dma_start3A_66 : memref<640xf32, #tpu.memory_space<vmem_shared>>) target(%arg12 : memref<640xf32, #tpu.memory_space<vmem>>) target_semaphore(%run_scoped3A : memref<!tpu.dma_semaphore, #tpu.memory_space<semaphore_mem>>)
        %dma_wait3A = tpu.memref_slice %arg16[%mul3A_63] : memref<10240xf32, #tpu.memory_space<vmem_shared>> -> memref<640xf32, #tpu.memory_space<vmem_shared>>
        %dma_wait3A_67 = tpu.memref_slice %arg16[%mul3A_63] : memref<10240xf32, #tpu.memory_space<vmem_shared>> -> memref<640xf32, #tpu.memory_space<vmem_shared>>
        tpu.wait_dma2 semaphore(%run_scoped3A : memref<!tpu.dma_semaphore, #tpu.memory_space<semaphore_mem>>) src(%dma_wait3A_67 : memref<640xf32, #tpu.memory_space<vmem_shared>>) dst(%arg12 : memref<640xf32, #tpu.memory_space<vmem>>)
        tpu.yield
      }) : () -> ()
      %mul3A_64 = arith.constant 640 : i32
      %mul3A_65 = arith.muli %arg1, %mul3A_64 : i32
      "tpu.region"() ({
        %run_scoped3A = tpu.sem_alloc : memref<!tpu.dma_semaphore, #tpu.memory_space<semaphore_mem>>
        %dma_start3A = tpu.memref_slice %arg8[%mul3A_65] : memref<10240xf32, #tpu.memory_space<hbm>> -> memref<640xf32, #tpu.memory_space<hbm>>
        %dma_start3A_66 = tpu.memref_slice %arg8[%mul3A_65] : memref<10240xf32, #tpu.memory_space<hbm>> -> memref<640xf32, #tpu.memory_space<hbm>>
        tpu.enqueue_dma source(%arg12 : memref<640xf32, #tpu.memory_space<vmem>>) target(%dma_start3A_66 : memref<640xf32, #tpu.memory_space<hbm>>) target_semaphore(%run_scoped3A : memref<!tpu.dma_semaphore, #tpu.memory_space<semaphore_mem>>)
        %dma_wait3A = tpu.memref_slice %arg8[%mul3A_65] : memref<10240xf32, #tpu.memory_space<hbm>> -> memref<640xf32, #tpu.memory_space<hbm>>
        %dma_wait3A_67 = tpu.memref_slice %arg8[%mul3A_65] : memref<10240xf32, #tpu.memory_space<hbm>> -> memref<640xf32, #tpu.memory_space<hbm>>
        tpu.wait_dma2 semaphore(%run_scoped3A : memref<!tpu.dma_semaphore, #tpu.memory_space<semaphore_mem>>) src(%arg12 : memref<640xf32, #tpu.memory_space<vmem>>) dst(%dma_wait3A_67 : memref<640xf32, #tpu.memory_space<hbm>>)
        tpu.yield
      }) : () -> ()
    } else {
    }
    "tpu.trace_stop"() : () -> ()
    return
  }
}

#map = affine_map<(d0, d1) -> (0, 0)>
#map1 = affine_map<(d0, d1) -> (0)>
module attributes {stable_mosaic.version = 14 : i64} {
  func.func @_scb_body(%arg0: i32, %arg1: i32, %arg2: memref<1312x128xi32, #tpu.memory_space<hbm>>, %arg3: memref<1312x128xi32, #tpu.memory_space<hbm>>, %arg4: memref<10240xf32, #tpu.memory_space<hbm>>, %arg5: memref<10240xf32, #tpu.memory_space<hbm>>, %arg6: memref<32x10240xf32, #tpu.memory_space<hbm>>, %arg7: memref<40x128xi32, #tpu.memory_space<vmem>>, %arg8: memref<40x128xi32, #tpu.memory_space<vmem>>, %arg9: memref<10240xf32, #tpu.memory_space<vmem>>, %arg10: memref<10240xf32, #tpu.memory_space<vmem>>) attributes {dimension_semantics = [#tpu.dimension_semantics<core_parallel>, #tpu.dimension_semantics<subcore_parallel>], iteration_bounds = array<i64: 2, 16>, scalar_prefetch = 0 : i64, scratch_operands = 4 : i64, tpu.core_type = #tpu.core_type<sc_vector_subcore>, window_params = [{transform_indices = #map}, {transform_indices = #map}, {transform_indices = #map1}, {transform_indices = #map1}, {transform_indices = #map}]} {
    %mul3A = arith.constant 16 : i32
    %mul3A_0 = arith.muli %arg0, %mul3A : i32
    %add3A = arith.addi %mul3A_0, %arg1 : i32
    "tpu.region"() ({
      %run_scoped3A = tpu.sem_alloc : memref<!tpu.dma_semaphore, #tpu.memory_space<semaphore_mem>>
      tpu.enqueue_dma source(%arg5 : memref<10240xf32, #tpu.memory_space<hbm>>) target(%arg10 : memref<10240xf32, #tpu.memory_space<vmem>>) target_semaphore(%run_scoped3A : memref<!tpu.dma_semaphore, #tpu.memory_space<semaphore_mem>>)
      tpu.wait_dma2 semaphore(%run_scoped3A : memref<!tpu.dma_semaphore, #tpu.memory_space<semaphore_mem>>) src(%arg5 : memref<10240xf32, #tpu.memory_space<hbm>>) dst(%arg10 : memref<10240xf32, #tpu.memory_space<vmem>>)
      tpu.yield
    }) : () -> ()
    "tpu.region"() ({
      %run_scoped3A = tpu.sem_alloc : memref<!tpu.dma_semaphore, #tpu.memory_space<semaphore_mem>>
      tpu.enqueue_dma source(%arg4 : memref<10240xf32, #tpu.memory_space<hbm>>) target(%arg9 : memref<10240xf32, #tpu.memory_space<vmem>>) target_semaphore(%run_scoped3A : memref<!tpu.dma_semaphore, #tpu.memory_space<semaphore_mem>>)
      tpu.wait_dma2 semaphore(%run_scoped3A : memref<!tpu.dma_semaphore, #tpu.memory_space<semaphore_mem>>) src(%arg4 : memref<10240xf32, #tpu.memory_space<hbm>>) dst(%arg9 : memref<10240xf32, #tpu.memory_space<vmem>>)
      tpu.yield
    }) : () -> ()
    %mul3A_1 = arith.constant 40 : i32
    %mul3A_2 = arith.muli %add3A, %mul3A_1 : i32
    "tpu.region"() ({
      %run_scoped3A = tpu.sem_alloc : memref<!tpu.dma_semaphore, #tpu.memory_space<semaphore_mem>>
      %dma_start3A = arith.constant 0 : i32
      %dma_start3A_10 = tpu.memref_slice %arg2[%mul3A_2, %dma_start3A] : memref<1312x128xi32, #tpu.memory_space<hbm>> -> memref<40x128xi32, #tpu.memory_space<hbm>>
      %dma_start3A_11 = arith.constant 0 : i32
      %dma_start3A_12 = tpu.memref_slice %arg2[%mul3A_2, %dma_start3A_11] : memref<1312x128xi32, #tpu.memory_space<hbm>> -> memref<40x128xi32, #tpu.memory_space<hbm>>
      tpu.enqueue_dma source(%dma_start3A_12 : memref<40x128xi32, #tpu.memory_space<hbm>>) target(%arg7 : memref<40x128xi32, #tpu.memory_space<vmem>>) target_semaphore(%run_scoped3A : memref<!tpu.dma_semaphore, #tpu.memory_space<semaphore_mem>>)
      %dma_wait3A = arith.constant 0 : i32
      %dma_wait3A_13 = tpu.memref_slice %arg2[%mul3A_2, %dma_wait3A] : memref<1312x128xi32, #tpu.memory_space<hbm>> -> memref<40x128xi32, #tpu.memory_space<hbm>>
      %dma_wait3A_14 = arith.constant 0 : i32
      %dma_wait3A_15 = tpu.memref_slice %arg2[%mul3A_2, %dma_wait3A_14] : memref<1312x128xi32, #tpu.memory_space<hbm>> -> memref<40x128xi32, #tpu.memory_space<hbm>>
      tpu.wait_dma2 semaphore(%run_scoped3A : memref<!tpu.dma_semaphore, #tpu.memory_space<semaphore_mem>>) src(%dma_wait3A_15 : memref<40x128xi32, #tpu.memory_space<hbm>>) dst(%arg7 : memref<40x128xi32, #tpu.memory_space<vmem>>)
      tpu.yield
    }) : () -> ()
    %mul3A_3 = arith.constant 40 : i32
    %mul3A_4 = arith.muli %add3A, %mul3A_3 : i32
    "tpu.region"() ({
      %run_scoped3A = tpu.sem_alloc : memref<!tpu.dma_semaphore, #tpu.memory_space<semaphore_mem>>
      %dma_start3A = arith.constant 0 : i32
      %dma_start3A_10 = tpu.memref_slice %arg3[%mul3A_4, %dma_start3A] : memref<1312x128xi32, #tpu.memory_space<hbm>> -> memref<40x128xi32, #tpu.memory_space<hbm>>
      %dma_start3A_11 = arith.constant 0 : i32
      %dma_start3A_12 = tpu.memref_slice %arg3[%mul3A_4, %dma_start3A_11] : memref<1312x128xi32, #tpu.memory_space<hbm>> -> memref<40x128xi32, #tpu.memory_space<hbm>>
      tpu.enqueue_dma source(%dma_start3A_12 : memref<40x128xi32, #tpu.memory_space<hbm>>) target(%arg8 : memref<40x128xi32, #tpu.memory_space<vmem>>) target_semaphore(%run_scoped3A : memref<!tpu.dma_semaphore, #tpu.memory_space<semaphore_mem>>)
      %dma_wait3A = arith.constant 0 : i32
      %dma_wait3A_13 = tpu.memref_slice %arg3[%mul3A_4, %dma_wait3A] : memref<1312x128xi32, #tpu.memory_space<hbm>> -> memref<40x128xi32, #tpu.memory_space<hbm>>
      %dma_wait3A_14 = arith.constant 0 : i32
      %dma_wait3A_15 = tpu.memref_slice %arg3[%mul3A_4, %dma_wait3A_14] : memref<1312x128xi32, #tpu.memory_space<hbm>> -> memref<40x128xi32, #tpu.memory_space<hbm>>
      tpu.wait_dma2 semaphore(%run_scoped3A : memref<!tpu.dma_semaphore, #tpu.memory_space<semaphore_mem>>) src(%dma_wait3A_15 : memref<40x128xi32, #tpu.memory_space<hbm>>) dst(%arg8 : memref<40x128xi32, #tpu.memory_space<vmem>>)
      tpu.yield
    }) : () -> ()
    "tpu.trace_start"() <{level = 10 : i32, message = "c_phase"}> : () -> ()
    %scan3A = arith.constant 0 : i32
    %scan3A_5 = arith.constant 0 : i32
    %scan3A_6 = arith.constant 40 : i32
    %scan3A_7 = arith.addi %scan3A_5, %scan3A_6 : i32
    %scan3A_8 = arith.constant 1 : i32
    scf.for %scan3A_10 = %scan3A_5 to %scan3A_7 step %scan3A_8  : i32 {
      %get3A = arith.index_cast %scan3A_10 : i32 to index
      %get3A_11 = arith.constant 0 : index
      %get3A_12 = tpu.vector_load %arg8[%get3A, %get3A_11] {strides = array<i32>} : memref<40x128xi32, #tpu.memory_space<vmem>>, vector<16xi32>,
      %get3A_13 = arith.index_cast %scan3A_10 : i32 to index
      %get3A_14 = arith.constant 0 : index
      %get3A_15 = tpu.vector_load %arg7[%get3A_13, %get3A_14] {strides = array<i32>} : memref<40x128xi32, #tpu.memory_space<vmem>>, vector<16xi32>,
      %gather3A = tpu.vector_load_idx %arg9[%get3A_12] : memref<10240xf32, #tpu.memory_space<vmem>>[vector<16xi32>], vector<16xf32>,
      %max3A = arith.constant 1.000000e+00 : f32
      %max3A_16 = vector.broadcast %max3A : f32 to vector<16xf32>
      %max3A_17 = arith.maximumf %gather3A, %max3A_16 : vector<16xf32>
      %div3A = arith.constant 1.000000e+00 : f32
      %div3A_18 = vector.broadcast %div3A : f32 to vector<16xf32>
      %div3A_19 = arith.divf %div3A_18, %max3A_17 : vector<16xf32>
      tpu.vector_store_idx %arg10[%get3A_15], %div3A_19 {add = true} : memref<10240xf32, #tpu.memory_space<vmem>>[vector<16xi32>], vector<16xf32>,
      %get3A_20 = arith.index_cast %scan3A_10 : i32 to index
      %get3A_21 = arith.constant 16 : index
      %get3A_22 = tpu.vector_load %arg8[%get3A_20, %get3A_21] {strides = array<i32>} : memref<40x128xi32, #tpu.memory_space<vmem>>, vector<16xi32>,
      %get3A_23 = arith.index_cast %scan3A_10 : i32 to index
      %get3A_24 = arith.constant 16 : index
      %get3A_25 = tpu.vector_load %arg7[%get3A_23, %get3A_24] {strides = array<i32>} : memref<40x128xi32, #tpu.memory_space<vmem>>, vector<16xi32>,
      %gather3A_26 = tpu.vector_load_idx %arg9[%get3A_22] : memref<10240xf32, #tpu.memory_space<vmem>>[vector<16xi32>], vector<16xf32>,
      %max3A_27 = arith.constant 1.000000e+00 : f32
      %max3A_28 = vector.broadcast %max3A_27 : f32 to vector<16xf32>
      %max3A_29 = arith.maximumf %gather3A_26, %max3A_28 : vector<16xf32>
      %div3A_30 = arith.constant 1.000000e+00 : f32
      %div3A_31 = vector.broadcast %div3A_30 : f32 to vector<16xf32>
      %div3A_32 = arith.divf %div3A_31, %max3A_29 : vector<16xf32>
      tpu.vector_store_idx %arg10[%get3A_25], %div3A_32 {add = true} : memref<10240xf32, #tpu.memory_space<vmem>>[vector<16xi32>], vector<16xf32>,
      %get3A_33 = arith.index_cast %scan3A_10 : i32 to index
      %get3A_34 = arith.constant 32 : index
      %get3A_35 = tpu.vector_load %arg8[%get3A_33, %get3A_34] {strides = array<i32>} : memref<40x128xi32, #tpu.memory_space<vmem>>, vector<16xi32>,
      %get3A_36 = arith.index_cast %scan3A_10 : i32 to index
      %get3A_37 = arith.constant 32 : index
      %get3A_38 = tpu.vector_load %arg7[%get3A_36, %get3A_37] {strides = array<i32>} : memref<40x128xi32, #tpu.memory_space<vmem>>, vector<16xi32>,
      %gather3A_39 = tpu.vector_load_idx %arg9[%get3A_35] : memref<10240xf32, #tpu.memory_space<vmem>>[vector<16xi32>], vector<16xf32>,
      %max3A_40 = arith.constant 1.000000e+00 : f32
      %max3A_41 = vector.broadcast %max3A_40 : f32 to vector<16xf32>
      %max3A_42 = arith.maximumf %gather3A_39, %max3A_41 : vector<16xf32>
      %div3A_43 = arith.constant 1.000000e+00 : f32
      %div3A_44 = vector.broadcast %div3A_43 : f32 to vector<16xf32>
      %div3A_45 = arith.divf %div3A_44, %max3A_42 : vector<16xf32>
      tpu.vector_store_idx %arg10[%get3A_38], %div3A_45 {add = true} : memref<10240xf32, #tpu.memory_space<vmem>>[vector<16xi32>], vector<16xf32>,
      %get3A_46 = arith.index_cast %scan3A_10 : i32 to index
      %get3A_47 = arith.constant 48 : index
      %get3A_48 = tpu.vector_load %arg8[%get3A_46, %get3A_47] {strides = array<i32>} : memref<40x128xi32, #tpu.memory_space<vmem>>, vector<16xi32>,
      %get3A_49 = arith.index_cast %scan3A_10 : i32 to index
      %get3A_50 = arith.constant 48 : index
      %get3A_51 = tpu.vector_load %arg7[%get3A_49, %get3A_50] {strides = array<i32>} : memref<40x128xi32, #tpu.memory_space<vmem>>, vector<16xi32>,
      %gather3A_52 = tpu.vector_load_idx %arg9[%get3A_48] : memref<10240xf32, #tpu.memory_space<vmem>>[vector<16xi32>], vector<16xf32>,
      %max3A_53 = arith.constant 1.000000e+00 : f32
      %max3A_54 = vector.broadcast %max3A_53 : f32 to vector<16xf32>
      %max3A_55 = arith.maximumf %gather3A_52, %max3A_54 : vector<16xf32>
      %div3A_56 = arith.constant 1.000000e+00 : f32
      %div3A_57 = vector.broadcast %div3A_56 : f32 to vector<16xf32>
      %div3A_58 = arith.divf %div3A_57, %max3A_55 : vector<16xf32>
      tpu.vector_store_idx %arg10[%get3A_51], %div3A_58 {add = true} : memref<10240xf32, #tpu.memory_space<vmem>>[vector<16xi32>], vector<16xf32>,
      %get3A_59 = arith.index_cast %scan3A_10 : i32 to index
      %get3A_60 = arith.constant 64 : index
      %get3A_61 = tpu.vector_load %arg8[%get3A_59, %get3A_60] {strides = array<i32>} : memref<40x128xi32, #tpu.memory_space<vmem>>, vector<16xi32>,
      %get3A_62 = arith.index_cast %scan3A_10 : i32 to index
      %get3A_63 = arith.constant 64 : index
      %get3A_64 = tpu.vector_load %arg7[%get3A_62, %get3A_63] {strides = array<i32>} : memref<40x128xi32, #tpu.memory_space<vmem>>, vector<16xi32>,
      %gather3A_65 = tpu.vector_load_idx %arg9[%get3A_61] : memref<10240xf32, #tpu.memory_space<vmem>>[vector<16xi32>], vector<16xf32>,
      %max3A_66 = arith.constant 1.000000e+00 : f32
      %max3A_67 = vector.broadcast %max3A_66 : f32 to vector<16xf32>
      %max3A_68 = arith.maximumf %gather3A_65, %max3A_67 : vector<16xf32>
      %div3A_69 = arith.constant 1.000000e+00 : f32
      %div3A_70 = vector.broadcast %div3A_69 : f32 to vector<16xf32>
      %div3A_71 = arith.divf %div3A_70, %max3A_68 : vector<16xf32>
      tpu.vector_store_idx %arg10[%get3A_64], %div3A_71 {add = true} : memref<10240xf32, #tpu.memory_space<vmem>>[vector<16xi32>], vector<16xf32>,
      %get3A_72 = arith.index_cast %scan3A_10 : i32 to index
      %get3A_73 = arith.constant 80 : index
      %get3A_74 = tpu.vector_load %arg8[%get3A_72, %get3A_73] {strides = array<i32>} : memref<40x128xi32, #tpu.memory_space<vmem>>, vector<16xi32>,
      %get3A_75 = arith.index_cast %scan3A_10 : i32 to index
      %get3A_76 = arith.constant 80 : index
      %get3A_77 = tpu.vector_load %arg7[%get3A_75, %get3A_76] {strides = array<i32>} : memref<40x128xi32, #tpu.memory_space<vmem>>, vector<16xi32>,
      %gather3A_78 = tpu.vector_load_idx %arg9[%get3A_74] : memref<10240xf32, #tpu.memory_space<vmem>>[vector<16xi32>], vector<16xf32>,
      %max3A_79 = arith.constant 1.000000e+00 : f32
      %max3A_80 = vector.broadcast %max3A_79 : f32 to vector<16xf32>
      %max3A_81 = arith.maximumf %gather3A_78, %max3A_80 : vector<16xf32>
      %div3A_82 = arith.constant 1.000000e+00 : f32
      %div3A_83 = vector.broadcast %div3A_82 : f32 to vector<16xf32>
      %div3A_84 = arith.divf %div3A_83, %max3A_81 : vector<16xf32>
      tpu.vector_store_idx %arg10[%get3A_77], %div3A_84 {add = true} : memref<10240xf32, #tpu.memory_space<vmem>>[vector<16xi32>], vector<16xf32>,
      %get3A_85 = arith.index_cast %scan3A_10 : i32 to index
      %get3A_86 = arith.constant 96 : index
      %get3A_87 = tpu.vector_load %arg8[%get3A_85, %get3A_86] {strides = array<i32>} : memref<40x128xi32, #tpu.memory_space<vmem>>, vector<16xi32>,
      %get3A_88 = arith.index_cast %scan3A_10 : i32 to index
      %get3A_89 = arith.constant 96 : index
      %get3A_90 = tpu.vector_load %arg7[%get3A_88, %get3A_89] {strides = array<i32>} : memref<40x128xi32, #tpu.memory_space<vmem>>, vector<16xi32>,
      %gather3A_91 = tpu.vector_load_idx %arg9[%get3A_87] : memref<10240xf32, #tpu.memory_space<vmem>>[vector<16xi32>], vector<16xf32>,
      %max3A_92 = arith.constant 1.000000e+00 : f32
      %max3A_93 = vector.broadcast %max3A_92 : f32 to vector<16xf32>
      %max3A_94 = arith.maximumf %gather3A_91, %max3A_93 : vector<16xf32>
      %div3A_95 = arith.constant 1.000000e+00 : f32
      %div3A_96 = vector.broadcast %div3A_95 : f32 to vector<16xf32>
      %div3A_97 = arith.divf %div3A_96, %max3A_94 : vector<16xf32>
      tpu.vector_store_idx %arg10[%get3A_90], %div3A_97 {add = true} : memref<10240xf32, #tpu.memory_space<vmem>>[vector<16xi32>], vector<16xf32>,
      %get3A_98 = arith.index_cast %scan3A_10 : i32 to index
      %get3A_99 = arith.constant 112 : index
      %get3A_100 = tpu.vector_load %arg8[%get3A_98, %get3A_99] {strides = array<i32>} : memref<40x128xi32, #tpu.memory_space<vmem>>, vector<16xi32>,
      %get3A_101 = arith.index_cast %scan3A_10 : i32 to index
      %get3A_102 = arith.constant 112 : index
      %get3A_103 = tpu.vector_load %arg7[%get3A_101, %get3A_102] {strides = array<i32>} : memref<40x128xi32, #tpu.memory_space<vmem>>, vector<16xi32>,
      %gather3A_104 = tpu.vector_load_idx %arg9[%get3A_100] : memref<10240xf32, #tpu.memory_space<vmem>>[vector<16xi32>], vector<16xf32>,
      %max3A_105 = arith.constant 1.000000e+00 : f32
      %max3A_106 = vector.broadcast %max3A_105 : f32 to vector<16xf32>
      %max3A_107 = arith.maximumf %gather3A_104, %max3A_106 : vector<16xf32>
      %div3A_108 = arith.constant 1.000000e+00 : f32
      %div3A_109 = vector.broadcast %div3A_108 : f32 to vector<16xf32>
      %div3A_110 = arith.divf %div3A_109, %max3A_107 : vector<16xf32>
      tpu.vector_store_idx %arg10[%get3A_103], %div3A_110 {add = true} : memref<10240xf32, #tpu.memory_space<vmem>>[vector<16xi32>], vector<16xf32>,
    }
    %scan3A_9 = arith.constant 40 : i32
    "tpu.trace_stop"() : () -> ()
    "tpu.region"() ({
      %run_scoped3A = tpu.sem_alloc : memref<!tpu.dma_semaphore, #tpu.memory_space<semaphore_mem>>
      %dma_start3A = arith.constant 0 : i32
      %dma_start3A_10 = tpu.memref_slice %arg6[%add3A, %dma_start3A] : memref<32x10240xf32, #tpu.memory_space<hbm>> -> memref<1x10240xf32, #tpu.memory_space<hbm>>
      %dma_start3A_11 = tpu.memref_squeeze %dma_start3A_10 : memref<1x10240xf32, #tpu.memory_space<hbm>> -> memref<10240xf32, #tpu.memory_space<hbm>>
      %dma_start3A_12 = arith.constant 0 : i32
      %dma_start3A_13 = tpu.memref_slice %arg6[%add3A, %dma_start3A_12] : memref<32x10240xf32, #tpu.memory_space<hbm>> -> memref<1x10240xf32, #tpu.memory_space<hbm>>
      %dma_start3A_14 = tpu.memref_squeeze %dma_start3A_13 : memref<1x10240xf32, #tpu.memory_space<hbm>> -> memref<10240xf32, #tpu.memory_space<hbm>>
      tpu.enqueue_dma source(%arg10 : memref<10240xf32, #tpu.memory_space<vmem>>) target(%dma_start3A_14 : memref<10240xf32, #tpu.memory_space<hbm>>) target_semaphore(%run_scoped3A : memref<!tpu.dma_semaphore, #tpu.memory_space<semaphore_mem>>)
      %dma_wait3A = arith.constant 0 : i32
      %dma_wait3A_15 = tpu.memref_slice %arg6[%add3A, %dma_wait3A] : memref<32x10240xf32, #tpu.memory_space<hbm>> -> memref<1x10240xf32, #tpu.memory_space<hbm>>
      %dma_wait3A_16 = tpu.memref_squeeze %dma_wait3A_15 : memref<1x10240xf32, #tpu.memory_space<hbm>> -> memref<10240xf32, #tpu.memory_space<hbm>>
      %dma_wait3A_17 = arith.constant 0 : i32
      %dma_wait3A_18 = tpu.memref_slice %arg6[%add3A, %dma_wait3A_17] : memref<32x10240xf32, #tpu.memory_space<hbm>> -> memref<1x10240xf32, #tpu.memory_space<hbm>>
      %dma_wait3A_19 = tpu.memref_squeeze %dma_wait3A_18 : memref<1x10240xf32, #tpu.memory_space<hbm>> -> memref<10240xf32, #tpu.memory_space<hbm>>
      tpu.wait_dma2 semaphore(%run_scoped3A : memref<!tpu.dma_semaphore, #tpu.memory_space<semaphore_mem>>) src(%arg10 : memref<10240xf32, #tpu.memory_space<vmem>>) dst(%dma_wait3A_19 : memref<10240xf32, #tpu.memory_space<hbm>>)
      tpu.yield
    }) : () -> ()
    return
  }
}

module attributes {stable_mosaic.version = 14 : i64} {
  func.func @_tc0_body(%arg0: memref<10000x256xf32, #tpu.memory_space<vmem>>, %arg1: memref<256x256xf32, #tpu.memory_space<vmem>>, %arg2: memref<10240x128xf32, #tpu.memory_space<vmem>>, %arg3: memref<10240x128xf32, #tpu.memory_space<vmem>>) attributes {dimension_semantics = [], scalar_prefetch = 0 : i64, scratch_operands = 0 : i64, tpu.core_type = #tpu.core_type<tc>} {
    %get3A = arith.constant 0 : index
    %get3A_0 = arith.constant 0 : index
    %get3A_1 = vector.load %arg0[%get3A, %get3A_0] : memref<10000x256xf32, #tpu.memory_space<vmem>>, vector<10000x256xf32>
    %get3A_2 = arith.constant 0 : index
    %get3A_3 = arith.constant 0 : index
    %get3A_4 = vector.load %arg1[%get3A_2, %get3A_3] : memref<256x256xf32, #tpu.memory_space<vmem>>, vector<256x256xf32>
    %dot_general3A = arith.constant dense<0.000000e+00> : vector<10000x256xf32>
    %dot_general3A_5 = tpu.matmul %get3A_1, %get3A_4, %dot_general3A {dimension_numbers = #tpu.dot_dimension_numbers<[1], [0], [0], [1], [0, 0, 1, 1], [], []>, transpose_lhs_hint = false} : vector<10000x256xf32>, vector<256x256xf32>, vector<10000x256xf32> -> vector<10000x256xf32>
    %slice3A = vector.extract_strided_slice %dot_general3A_5 {offsets = [0, 0], sizes = [10000, 128], strides = [1, 1]} : vector<10000x256xf32> to vector<10000x128xf32>
    %swap3A = arith.constant 0 : index
    %swap3A_6 = arith.constant 0 : index
    %swap3A_7 = vector.load %arg2[%swap3A, %swap3A_6] : memref<10240x128xf32, #tpu.memory_space<vmem>>, vector<10000x128xf32>
    tpu.vector_store %arg2[%swap3A, %swap3A_6], %slice3A {strides = array<i32>} : memref<10240x128xf32, #tpu.memory_space<vmem>>, vector<10000x128xf32>,
    %slice3A_8 = vector.extract_strided_slice %dot_general3A_5 {offsets = [0, 128], sizes = [10000, 128], strides = [1, 1]} : vector<10000x256xf32> to vector<10000x128xf32>
    %swap3A_9 = arith.constant 0 : index
    %swap3A_10 = arith.constant 0 : index
    %swap3A_11 = vector.load %arg3[%swap3A_9, %swap3A_10] : memref<10240x128xf32, #tpu.memory_space<vmem>>, vector<10000x128xf32>
    tpu.vector_store %arg3[%swap3A_9, %swap3A_10], %slice3A_8 {strides = array<i32>} : memref<10240x128xf32, #tpu.memory_space<vmem>>, vector<10000x128xf32>,
    %broadcast_in_dim3A = arith.constant 0.000000e+00 : f32
    %broadcast_in_dim3A_12 = vector.broadcast %broadcast_in_dim3A : f32 to vector<240x128xf32>
    %swap3A_13 = arith.constant 10000 : index
    %swap3A_14 = arith.constant 0 : index
    %swap3A_15 = vector.load %arg2[%swap3A_13, %swap3A_14] : memref<10240x128xf32, #tpu.memory_space<vmem>>, vector<240x128xf32>
    tpu.vector_store %arg2[%swap3A_13, %swap3A_14], %broadcast_in_dim3A_12 {strides = array<i32>} : memref<10240x128xf32, #tpu.memory_space<vmem>>, vector<240x128xf32>,
    %swap3A_16 = arith.constant 10000 : index
    %swap3A_17 = arith.constant 0 : index
    %swap3A_18 = vector.load %arg3[%swap3A_16, %swap3A_17] : memref<10240x128xf32, #tpu.memory_space<vmem>>, vector<240x128xf32>
    tpu.vector_store %arg3[%swap3A_16, %swap3A_17], %broadcast_in_dim3A_12 {strides = array<i32>} : memref<10240x128xf32, #tpu.memory_space<vmem>>, vector<240x128xf32>,
    return
  }
}

module attributes {stable_mosaic.version = 14 : i64} {
  func.func @_tc1_body(%arg0: memref<10240x128xf32, #tpu.memory_space<vmem>>, %arg1: memref<2x10240x128xf32, #tpu.memory_space<vmem>>, %arg2: memref<10240x1xf32, #tpu.memory_space<vmem>>, %arg3: memref<32x10240xf32, #tpu.memory_space<vmem>>, %arg4: memref<128x128xf32, #tpu.memory_space<vmem>>, %arg5: memref<128x128xf32, #tpu.memory_space<vmem>>, %arg6: memref<64x128xf32, #tpu.memory_space<vmem>>, %arg7: memref<1x64xf32, #tpu.memory_space<vmem>>) attributes {dimension_semantics = [], scalar_prefetch = 0 : i64, scratch_operands = 0 : i64, tpu.core_type = #tpu.core_type<tc>} {
    %get3A = arith.constant 0 : index
    %get3A_0 = arith.constant 0 : index
    %get3A_1 = arith.constant 0 : index
    %get3A_2 = vector.load %arg1[%get3A, %get3A_0, %get3A_1] : memref<2x10240x128xf32, #tpu.memory_space<vmem>>, vector<1x10240x128xf32>
    %get3A_3 = vector.shape_cast %get3A_2 : vector<1x10240x128xf32> to vector<10240x128xf32>
    %get3A_4 = arith.constant 1 : index
    %get3A_5 = arith.constant 0 : index
    %get3A_6 = arith.constant 0 : index
    %get3A_7 = vector.load %arg1[%get3A_4, %get3A_5, %get3A_6] : memref<2x10240x128xf32, #tpu.memory_space<vmem>>, vector<1x10240x128xf32>
    %get3A_8 = vector.shape_cast %get3A_7 : vector<1x10240x128xf32> to vector<10240x128xf32>
    %add3A = arith.addf %get3A_3, %get3A_8 : vector<10240x128xf32>
    %get3A_9 = arith.constant 0 : index
    %get3A_10 = arith.constant 0 : index
    %get3A_11 = vector.load %arg2[%get3A_9, %get3A_10] : memref<10240x1xf32, #tpu.memory_space<vmem>>, vector<10240x1xf32>
    %max3A = arith.constant 1.000000e+00 : f32
    %max3A_12 = vector.broadcast %max3A : f32 to vector<10240x1xf32>
    %max3A_13 = arith.maximumf %get3A_11, %max3A_12 : vector<10240x1xf32>
    %div3A = arith.constant 1.000000e+00 : f32
    %div3A_14 = vector.broadcast %div3A : f32 to vector<10240x1xf32>
    %div3A_15 = arith.divf %div3A_14, %max3A_13 : vector<10240x1xf32>
    %get3A_16 = arith.constant 0 : index
    %get3A_17 = arith.constant 0 : index
    %get3A_18 = vector.load %arg0[%get3A_16, %get3A_17] : memref<10240x128xf32, #tpu.memory_space<vmem>>, vector<10240x128xf32>
    %mul3A = vector.broadcast %div3A_15 : vector<10240x1xf32> to vector<10240x128xf32>
    %mul3A_19 = arith.mulf %add3A, %mul3A : vector<10240x128xf32>
    %add3A_20 = arith.addf %get3A_18, %mul3A_19 : vector<10240x128xf32>
    %max3A_21 = arith.constant 0.000000e+00 : f32
    %max3A_22 = vector.broadcast %max3A_21 : f32 to vector<10240x128xf32>
    %max3A_23 = arith.maximumf %add3A_20, %max3A_22 : vector<10240x128xf32>
    %iota3A = tpu.iota {dimensions = array<i32: 0>} : vector<10240x1xi32>
    %lt3A = arith.constant 10000 : i32
    %lt3A_24 = vector.broadcast %lt3A : i32 to vector<10240x1xi32>
    %lt3A_25 = arith.cmpi slt, %iota3A, %lt3A_24 : vector<10240x1xi32>
    %jit3A = arith.constant 0.000000e+00 : f32
    %broadcast_in_dim3A = vector.shape_cast %lt3A_25 : vector<10240x1xi1> to vector<10240x1xi1>
    %broadcast_in_dim3A_26 = vector.broadcast %broadcast_in_dim3A : vector<10240x1xi1> to vector<10240x128xi1>
    %broadcast_in_dim3A_27 = vector.broadcast %jit3A : f32 to vector<10240x128xf32>
    %select_n3A = arith.select %broadcast_in_dim3A_26, %max3A_23, %broadcast_in_dim3A_27 : vector<10240x128xi1>, vector<10240x128xf32>
    %reduce_sum3A = arith.constant dense<0.000000e+00> : vector<128xf32>
    %reduce_sum3A_28 = vector.multi_reduction <add>, %select_n3A, %reduce_sum3A [0] : vector<10240x128xf32> to vector<128xf32>
    %broadcast_in_dim3A_29 = vector.shape_cast %reduce_sum3A_28 : vector<128xf32> to vector<1x128xf32>
    %mul3A_30 = arith.constant 9.99999974E-5 : f32
    %mul3A_31 = vector.broadcast %mul3A_30 : f32 to vector<1x128xf32>
    %mul3A_32 = arith.mulf %broadcast_in_dim3A_29, %mul3A_31 : vector<1x128xf32>
    %get3A_33 = arith.constant 0 : index
    %get3A_34 = arith.constant 0 : index
    %get3A_35 = vector.load %arg3[%get3A_33, %get3A_34] : memref<32x10240xf32, #tpu.memory_space<vmem>>, vector<32x10240xf32>
    %reduce_sum3A_36 = arith.constant dense<0.000000e+00> : vector<10240xf32>
    %reduce_sum3A_37 = vector.multi_reduction <add>, %get3A_35, %reduce_sum3A_36 [0] : vector<32x10240xf32> to vector<10240xf32>
    %broadcast_in_dim3A_38 = vector.shape_cast %reduce_sum3A_37 : vector<10240xf32> to vector<1x10240xf32>
    %dot_general3A = arith.constant dense<0.000000e+00> : vector<1x128xf32>
    %dot_general3A_39 = tpu.matmul %broadcast_in_dim3A_38, %select_n3A, %dot_general3A {dimension_numbers = #tpu.dot_dimension_numbers<[1], [0], [0], [1], [0, 0, 1, 1], [], []>, transpose_lhs_hint = false} : vector<1x10240xf32>, vector<10240x128xf32>, vector<1x128xf32> -> vector<1x128xf32>
    %mul3A_40 = arith.constant 9.99999974E-5 : f32
    %mul3A_41 = vector.broadcast %mul3A_40 : f32 to vector<1x128xf32>
    %mul3A_42 = arith.mulf %dot_general3A_39, %mul3A_41 : vector<1x128xf32>
    %get3A_43 = arith.constant 0 : index
    %get3A_44 = arith.constant 0 : index
    %get3A_45 = vector.load %arg4[%get3A_43, %get3A_44] : memref<128x128xf32, #tpu.memory_space<vmem>>, vector<128x128xf32>
    %dot_general3A_46 = arith.constant dense<0.000000e+00> : vector<1x128xf32>
    %dot_general3A_47 = tpu.matmul %mul3A_32, %get3A_45, %dot_general3A_46 {dimension_numbers = #tpu.dot_dimension_numbers<[1], [1], [0], [0], [0, 0, 1, 0], [], []>, transpose_lhs_hint = false} : vector<1x128xf32>, vector<128x128xf32>, vector<1x128xf32> -> vector<1x128xf32>
    %get3A_48 = arith.constant 0 : index
    %get3A_49 = arith.constant 0 : index
    %get3A_50 = vector.load %arg5[%get3A_48, %get3A_49] : memref<128x128xf32, #tpu.memory_space<vmem>>, vector<128x128xf32>
    %dot_general3A_51 = arith.constant dense<0.000000e+00> : vector<1x128xf32>
    %dot_general3A_52 = tpu.matmul %mul3A_42, %get3A_50, %dot_general3A_51 {dimension_numbers = #tpu.dot_dimension_numbers<[1], [1], [0], [0], [0, 0, 1, 0], [], []>, transpose_lhs_hint = false} : vector<1x128xf32>, vector<128x128xf32>, vector<1x128xf32> -> vector<1x128xf32>
    %add3A_53 = arith.addf %dot_general3A_47, %dot_general3A_52 : vector<1x128xf32>
    %get3A_54 = arith.constant 0 : index
    %get3A_55 = arith.constant 0 : index
    %get3A_56 = vector.load %arg6[%get3A_54, %get3A_55] : memref<64x128xf32, #tpu.memory_space<vmem>>, vector<64x128xf32>
    %dot_general3A_57 = arith.constant dense<0.000000e+00> : vector<1x64xf32>
    %dot_general3A_58 = tpu.matmul %add3A_53, %get3A_56, %dot_general3A_57 {dimension_numbers = #tpu.dot_dimension_numbers<[1], [1], [0], [0], [0, 0, 1, 0], [], []>, transpose_lhs_hint = false} : vector<1x128xf32>, vector<64x128xf32>, vector<1x64xf32> -> vector<1x64xf32>
    %logistic3A = arith.negf %dot_general3A_58 : vector<1x64xf32>
    %logistic3A_59 = math.exp %logistic3A : vector<1x64xf32>
    %logistic3A_60 = arith.constant 1.000000e+00 : f32
    %logistic3A_61 = vector.broadcast %logistic3A_60 : f32 to vector<1x64xf32>
    %logistic3A_62 = arith.addf %logistic3A_61, %logistic3A_59 : vector<1x64xf32>
    %logistic3A_63 = arith.divf %logistic3A_61, %logistic3A_62 : vector<1x64xf32>
    %swap3A = arith.constant 0 : index
    %swap3A_64 = arith.constant 0 : index
    %swap3A_65 = vector.load %arg7[%swap3A, %swap3A_64] : memref<1x64xf32, #tpu.memory_space<vmem>>, vector<1x64xf32>
    tpu.vector_store %arg7[%swap3A, %swap3A_64], %logistic3A_63 {strides = array<i32>} : memref<1x64xf32, #tpu.memory_space<vmem>>, vector<1x64xf32>,
    return
  }
}

</mosaic_0001>

<sc_bundles>
// kernel: kernel.6.cloned.1.call-start
scs
__scs_entry_jumppad:
0x0: {  	(pc) =	sbr.rel $0x88, $3  }
0x1: {  	(tag) =	ssettag $0x0;
	lr =	simm.s32 $0x1  }
0x2: {  	[smem:$0x3F9A] =	sst lr;
	_ =	strace $0xD0000000  }
0x3: {  	_ = 	snop  }
0x4: {  	_ = 	snop  }
0x5: {  	_ = 	snop  }
0x6: {  	_ = 	snop  }
0x7: {  	_ = 	snop  }
__scs_overlays_trampoline_lowered:
0x8: {  	[smem:$0x3FA9] =	sst s0  }
0x9: {  	[smem:$0x3FAA] =	sst s1  }
0xa: {  	[smem:$0x3FAB] =	sst s2  }
0xb: {  	[smem:$0x3FAC] =	sst s3  }
0xc: {  	[smem:$0x3FAD] =	sst s4  }
0xd: {  	[smem:$0x3FAE] =	sst s5  }
0xe: {  	[smem:$0x3FAF] =	sst s6  }
0xf: {  	[smem:$0x3FB0] =	sst s7  }
0x10: {  	[smem:$0x3FB1] =	sst s8  }
0x11: {  	[smem:$0x3FB2] =	sst s9;
	s0 =	simm.s32 @!p0 $0x0  }
0x12: {  	s1 =	sld [smem:$0x3F98];
	s0 =	simm.s32 @p0 $0x1  }
0x13: {  	[smem:$0x3FB3] =	sst s0;
	s0 =	simm.s32 @!p1 $0x0  }
0x14: {  	s2 =	sld [smem:$0x3F97];
	s0 =	simm.s32 @p1 $0x1  }
0x15: {  	[smem:$0x3FB4] =	sst s0;
	s0 =	simm.s32 @!p2 $0x0  }
0x16: {  	s3 =	sld [smem:$0x3FDB];
	s0 =	simm.s32 @p2 $0x1  }
0x17: {  	s4 =	simm.s32 $0x1BF5;
	[smem:$0x3FB6] =	sst s0  }
0x18: {  	s0 =	sld [smem:$0x3F99];
	_ =	swait.ge [sflag:s4], $0x0  }
0x19: {  	s7 =	sld [smem:$0x3F9A]  }
0x1a: {  	s8 =	sadd.s32 $0xFFFFE003, lr  }
0x1b: {  	s9 =	sadd.s32 $0xFFFFFEF7, lr;
	s5 =	simm.s32 $0xFFFFFFFF;
	p2 =	slt.u32 s8, $0xFFFFF086  }
0x1c: {  	p1 =	slt.u32 s9, $0xF7A;
	s5 =	simm.s32 @!p2 $0x0  }
0x1d: {  	s5 =	simm.s32 @p1 $0x1;
	p0 =	seq.s32 s7, s2  }
0x1e: {  	s7 =	smul.u32 @!p0 $0xF7A, s2;
	p2 =	seq.s32 @!p0 s5, $0x0  }
0x1f: {  	s9 =	smul.u32 $0xF7A, s1;
	s8 =	simm.s32 @!p0 $0x1BF5;
	p2 =	por !p2, p0  }
0x20: {  	[sflag:s8] =	ssyncset.s32 @!p0 $0xFFFFF086;
	s6 =	sadd.s32 @!p0 s3, s7;
	s7 =	simm.s32 @!p0 $0x108  }
0x21: {  	s3 =	sadd.s32 s3, s9;
	s6 =	sadd.s32 @!p0 $0x88, s6;
	s7 =	simm.s32 @p2 $0x1082  }
0x22: {  	[simem:s7], [sflag:s8] =	dma.local @!p0 [hbm:s6], $0xF7A  }
0x23: {  	s9 =	sor.u32 $0xD0000000, s2;
	s6 =	simm.s32 $0x108;
	_ =	swait.ge @!p0 [sflag:s8], $0x0  }
0x24: {  	s3 =	sadd.s32 $0x88, s3;
	s6 =	simm.s32 @!p1 $0x1082;
	[sflag:s4] =	ssyncset.s32 $0xFFFFF086  }
0x25: {  	[simem:s6], [sflag:s4] =	dma.local [hbm:s3], $0xF7A  }
0x26: {  	[smem:$0x3F9A] =	sst s1;
	(tag) =	ssettag s2;
	_ =	strace s9  }
0x27: {  	s1 =	sld [smem:$0x3FAA]  }
0x28: {  	s2 =	sld [smem:$0x3FAB]  }
0x29: {  	s4 =	sld [smem:$0x3FAD]  }
0x2a: {  	p0 =	seq.s32 s5, $0x0;
	s5 =	sld [smem:$0x3FAE]  }
0x2b: {  	s6 =	sld [smem:$0x3FAF]  }
0x2c: {  	s7 =	sld [smem:$0x3FB0]  }
0x2d: {  	s3 =	simm.s32 $0x108;
	s8 =	sld [smem:$0x3FB1]  }
0x2e: {  	s3 =	simm.s32 @!p0 $0x1082;
	s9 =	sld [smem:$0x3FB2]  }
0x2f: {  	lr =	sadd.s32 s0, s3;
	s0 =	sld [smem:$0x3FA9]  }
0x30: {  	s3 =	sld [smem:$0x3FAC]  }
0x31: {  	[smem:$0x3FB5] =	sst s10  }
0x32: {  	s10 =	sld [smem:$0x3FB3];
	_ =	sdelay $0x3  }
0x33: {  	p0 =	seq.s32 s10, $0x1;
	s10 =	sld [smem:$0x3FB5];
	_ =	sdelay $0x3  }
0x34: {  	[smem:$0x3FB5] =	sst s10  }
0x35: {  	s10 =	sld [smem:$0x3FB4];
	_ =	sdelay $0x3  }
0x36: {  	p1 =	seq.s32 s10, $0x1;
	s10 =	sld [smem:$0x3FB5];
	_ =	sdelay $0x3  }
0x37: {  	[smem:$0x3FB5] =	sst s10  }
0x38: {  	s10 =	sld [smem:$0x3FB6]  }
0x39: {  	_ = 	snop;
	(pc) =	sbr.ind lr, $3  }
0x3a: {  	_ = 	snop  }
0x3b: {  	_ = 	snop  }
0x3c: {  	p2 =	seq.s32 s10, $0x1;
	s10 =	sld [smem:$0x3FB5]  }
0x3d: {  	_ =	shalt  }
0x3e: {  	_ =	shalt  }
0x3f: {  	_ =	shalt  }
0x40: {  	_ =	shalt  }
0x41: {  	_ =	shalt  }
0x42: {  	_ =	shalt  }
0x43: {  	_ =	shalt  }
0x44: {  	_ =	shalt  }
0x45: {  	_ =	shalt  }
0x46: {  	_ =	shalt  }
0x47: {  	_ =	shalt  }
0x48: {  	_ =	shalt  }
0x49: {  	_ =	shalt  }
0x4a: {  	_ =	shalt  }
0x4b: {  	_ =	shalt  }
0x4c: {  	_ =	shalt  }
0x4d: {  	_ =	shalt  }
0x4e: {  	_ =	shalt  }
0x4f: {  	_ =	shalt  }
0x50: {  	_ =	shalt  }
0x51: {  	_ =	shalt  }
0x52: {  	_ =	shalt  }
0x53: {  	_ =	shalt  }
0x54: {  	_ =	shalt  }
0x55: {  	_ =	shalt  }
0x56: {  	_ =	shalt  }
0x57: {  	_ =	shalt  }
0x58: {  	_ =	shalt  }
0x59: {  	_ =	shalt  }
0x5a: {  	_ =	shalt  }
0x5b: {  	_ =	shalt  }
0x5c: {  	_ =	shalt  }
0x5d: {  	_ =	shalt  }
0x5e: {  	_ =	shalt  }
0x5f: {  	_ =	shalt  }
0x60: {  	_ =	shalt  }
0x61: {  	_ =	shalt  }
0x62: {  	_ =	shalt  }
0x63: {  	_ =	shalt  }
0x64: {  	_ =	shalt  }
0x65: {  	_ =	shalt  }
0x66: {  	_ =	shalt  }
0x67: {  	_ =	shalt  }
0x68: {  	_ =	shalt  }
0x69: {  	_ =	shalt  }
0x6a: {  	_ =	shalt  }
0x6b: {  	_ =	shalt  }
0x6c: {  	_ =	shalt  }
0x6d: {  	_ =	shalt  }
0x6e: {  	_ =	shalt  }
0x6f: {  	_ =	shalt  }
0x70: {  	_ =	shalt  }
0x71: {  	_ =	shalt  }
0x72: {  	_ =	shalt  }
0x73: {  	_ =	shalt  }
0x74: {  	_ =	shalt  }
0x75: {  	_ =	shalt  }
0x76: {  	_ =	shalt  }
0x77: {  	_ =	shalt  }
0x78: {  	_ =	shalt  }
0x79: {  	_ =	shalt  }
0x7a: {  	_ =	shalt  }
0x7b: {  	_ =	shalt  }
0x7c: {  	_ =	shalt  }
0x7d: {  	_ =	shalt  }
0x7e: {  	_ =	shalt  }
0x7f: {  	_ =	shalt  }
0x80: {  	_ =	shalt  }
0x81: {  	_ =	shalt  }
0x82: {  	_ =	shalt  }
0x83: {  	_ =	shalt  }
0x84: {  	_ =	shalt  }
0x85: {  	_ =	shalt  }
0x86: {  	_ =	shalt  }
0x87: {  	_ =	shalt  }
.Lfunc_end0:
.L_simem_size_0:
called_computation_lowered:
.L_overlay_start_0:
0x88: {  	s2 =	sld [smem:$0x3FD9]  }
0x89: {  	s3 =	sld [smem:$0x3FFE];
	_ =	sdelay $0x1  }
0x8a: {  	s1 =	srdreg.scid  }
0x8b: {  	s0 =	sand.u32 $0x1, s1  }
0x8c: {  	s16 =	sshll.u32 s0, $0xA;
	s2 =	sadd.s32 s3, s2  }
0x8d: {  	s2 =	sadd.s32 s2, s16  }
0x8e: {  	[smem:$0x3FC1] =	sst s2  }
0x8f: {  	_ = 	snop  }
0x90: {  	(tm) =	ssettm $0x1  }
0x91: {  	s17 =	sld [smem:$0x3FFB];
	_ =	sdelay $0x3  }
0x92: {  	_ =	strace s17  }
0x93: {  	s2 =	sld [smem:$0x3FFC];
	_ =	sdelay $0x3  }
0x94: {  	_ =	strace s2  }
0x95: {  	s2 =	sld [smem:$0x3FFD];
	_ =	sdelay $0x3  }
0x96: {  	_ =	strace s2  }
0x97: {  	_ =	strace $0x8FFFFFFF  }
0x98: {  	s18 =	sld [smem:$0x3FDB];
	_ =	sdelay $0x1  }
0x99: {  	s19 =	simm.s32 $_scs_section_size  }
0x9a: {  	s4 =	simm.s32 $_size__tile_overlayer_lowered;
	s5 =	simm.s32 $_tile_overlayer_lowered  }
0x9b: {  	s22 =	simm.s32 $0x1BFF;
	s21 =	sshll.u32 s5, $0x1;
	s2 =	sadd.s32 s19, s18  }
0x9c: {  	s6 =	simm.s32 $0x0;
	s20 =	sshll.u32 s4, $0x1;
	s4 =	sadd.s32 s21, s2  }
0x9d: {  	[timem:s6], [sflag:s22] =	dma.local [hbm:s4], s20  }
0x9e: {  	_ =	swait.ge [sflag:s22], s20  }
0x9f: {  	s3 =	ssub.s32 $0x0, s20;
	[sflag:s22] =	ssyncset.done $0x0  }
0xa0: {  	[sflag:s22] =	ssyncadd.s32 s3;
	_ =	sdelay $0x1  }
0xa1: {  	s23 =	simm.s32 $0x1B8B  }
0xa2: {  	_ =	swait.ge [sflag:s23], $0x1  }
0xa3: {  	[sflag:s23] =	ssyncset.done $0x0  }
0xa4: {  	s25 =	simm.s32 $0x1B8E;
	s24 =	sld [smem:$0x3FFE];
	[sflag:s23] =	ssyncadd.s32 $0xFFFFFFFF  }
0xa5: {  	s26 =	simm.s32 $execute0_lowered;
	[smem:$0x3FD2] =	sst s25  }
0xa6: {  	s4 =	sshll.u32 s26, $0x1;
	_ =	strace $0x80000046;
	[dreg:$0x1] =	wrdreg $0xFFFFFFFF  }
0xa7: {  	s28 =	simm.s32 $_size_execute0_lowered;
	s2 =	sadd.s32 s2, s4;
	[dreg:$0x0] =	wrdreg $0x0  }
0xa8: {  	s4 =	sshll.u32 s28, $0x1;
	[dreg:$0x2] =	wrdreg s2  }
0xa9: {  	[dreg:$0x3] =	wrdreg s4  }
0xaa: {  	[dreg:$0x4] =	wrdreg $0xC0  }
0xab: {  	_ =	task [dreg:s6], $0x5FFFF  }
0xac: {  	[dreg:$0x1] =	wrdreg $0xFFFFFFFF  }
0xad: {  	[dreg:$0x0] =	wrdreg $0x60  }
0xae: {  	[dreg:$0x2] =	wrdreg s24  }
0xaf: {  	[dreg:$0x3] =	wrdreg $0xAB000  }
0xb0: {  	[dreg:$0x4] =	wrdreg $0x1EB000  }
0xb1: {  	[dreg:$0x5] =	wrdreg $0x9  }
0xb2: {  	_ =	task.clear_ibuf [dreg:s6], $0x6FFFF;
	_ =	strace $0x90000046  }
0xb3: {  	s29 =	simm.s32 $0x9;
	_ =	strace $0x8000004C  }
0xb4: {  	_ =	swait.ge [sflag:s29], $0x1  }
0xb5: {  	[sflag:s29] =	ssyncadd.s32 $0xFFFFFFFF  }
0xb6: {  	_ =	strace $0x9000004C  }
0xb7: {  	_ =	sfence  }
0xb8: {  	s30 =	sld [smem:$0x0];
	_ =	sdelay $0x2  }
0xb9: {  	s31 =	sshll.u32 s1, $0xD;
	s1 =	sshrl.u32 s1, $0x2  }
0xba: {  	s3 =	sand.u32 $0x4000, s31;
	s1 =	sadd.s32 s1, s30  }
0xbb: {  	s0 =	sor.u32 s3, s0;
	s1 =	sshll.u32 s1, $0x11  }
0xbc: {  	s0 =	sor.u32 s1, s0  }
0xbd: {  	s0 =	sadd.s32 $0x8F2B, s0  }
0xbe: {  	[sflag:s0] =	ssyncadd.remote.s32 $0x1  }
0xbf: {  	_ =	sfence.sel $0xFFFF  }
0xc0: {  	[dreg:$0x0] =	wrdreg $0xFFFFFFFF;
	(pc) =	sbr.abs _section_cstart, $3  }
0xc1: {  	[dreg:$0x1] =	wrdreg $0xFFFFFFFF  }
0xc2: {  	_ =	task.clear_ibuf [dreg:s6], $0x2FFFF;
	_ =	strace $0x9FFFFFFF  }
0xc3: {  	(tm) =	ssettm $0x7FFFFFFF  }
tec
execute0_lowered:
.L_overlay_start_1:
0x0: {  	(tag) =	ssettag $0x1  }
0x1: {  	s0 =	rddreg [dreg:$0x0]  }
0x2: {  	s1 =	rddreg [dreg:$0x1]  }
0x3: {  	s2 =	rddreg [dreg:$0x2];
	s3 =	simm.s32 $0x0;
	s11 =	stileid.u32  }
0x4: {  	s5 =	srdreg.scid;
	s28 =	simm.s32 $0x80;
	s29 =	simm.s32 $0x2B00  }
0x5: {  	s30 =	simm.s32 $0x6B00;
	s31 =	simm.s32 $0x1;
	[smem:$0x7FF] =	sst s3  }
0x6: {  	s4 =	sadd.s32 $0x6A00, s0;
	s12 =	sadd.s32 $0x1800, s0;
	s7 =	sadd.s32 $0xBC00, s0  }
0x7: {  	s22 =	smul.u32 $0x280, s11;
	s6 =	sadd.s32 $0x34200, s0;
	s5 =	sand.u32 $0x1, s5  }
0x8: {  	s23 =	smul.u32 $0x50000, s11;
	s8 =	sadd.s32 $0x37000, s0;
	s25 =	sshll.u32 s11, $0x3  }
0x9: {  	s26 =	smul.u32 $0x14000, s11;
	_ =	strace $0x80000047;
	[dreg:$0x4] =	wrdreg s4  }
0xa: {  	[dreg:$0x6] =	wrdreg s6;
	s10 =	ssub.s32 $0x2, s5;
	p0 =	seq.s32 s5, $0x0  }
0xb: {  	s5 =	smul.u32 $0x140000, s5;
	[dreg:$0x5] =	wrdreg s12;
	s9 =	sshrl.u32 s22, $0x3  }
0xc: {  	s24 =	sshrl.u32 s10, $0x1;
	s6 =	sshrl.u32 s23, $0x2;
	s13 =	sadd.s32 s22, s2  }
0xd: {  	s4 =	sshll.u32 s22, $0x7;
	s0 =	sadd.s32 s9, s0;
	s9 =	ssub.s32 s10, s24  }
0xe: {  	s20 =	sadd.s32 s6, s1;
	s6 =	smul.u32 $0x48, s11;
	[dreg:$0x8] =	wrdreg s13  }
0xf: {  	s13 =	sor.u32 $0x480, s25;
	s15 =	sadd.s32 s5, s26;
	s16 =	sadd.s32 $0x4000, s4  }
0x10: {  	s19 =	sadd.s32 $0x8000, s4;
	s23 =	sadd.s32 $0xC000, s4;
	s4 =	sadd.s32 $0x10000, s4  }
0x11: {  	s25 =	smul.u32 $0x500, s11;
	s14 =	sadd.s32 $0x33C00, s0;
	s0 =	sadd.s32 $0x36A00, s0  }
0x12: {  	s9 =	smax.u32 s9, $0x1;
	s17 =	sadd.s32 s5, s16;
	[dreg:$0x7] =	wrdreg s20  }
0x13: {  	s21 =	sadd.s32 s5, s19;
	s22 =	sadd.s32 s19, s1;
	[dreg:$0xa] =	wrdreg s14  }
0x14: {  	s24 =	sadd.s32 s5, s23;
	s5 =	sadd.s32 s5, s4;
	[dreg:$0xb] =	wrdreg s0  }
0x15: {  	s4 =	sadd.s32 s4, s1;
	s19 =	simm.s32 $0x1780;
	[dreg:$0xc] =	wrdreg s9  }
0x16: {  	s13 =	smov.u32 @p0 s6;
	s0 =	sshrl.u32 s15, $0x3;
	[dreg:$0x10] =	wrdreg s22  }
0x17: {  	s18 =	sshrl.u32 s17, $0x3;
	s6 =	sadd.s32 s16, s1;
	[dreg:$0x14] =	wrdreg s4  }
0x18: {  	s26 =	sshrl.u32 s5, $0x3;
	s14 =	simm.s32 $0x1500;
	[dreg:$0x9] =	wrdreg s13  }
0x19: {  	s15 =	simm.s32 $0x1580;
	s0 =	sadd.s32 s8, s0;
	[dreg:$0xe] =	wrdreg s6  }
0x1a: {  	s16 =	simm.s32 $0x1600;
	s6 =	sadd.s32 s23, s1;
	[dreg:$0xd] =	wrdreg s0  }
0x1b: {  	s17 =	simm.s32 $0x1680;
	s0 =	sadd.s32 s8, s18;
	[dreg:$0x12] =	wrdreg s6  }
0x1c: {  	s13 =	simm.s32 $0x1480;
	[dreg:$0xf] =	wrdreg s0;
	s0 =	sshrl.u32 s21, $0x3  }
.Ltmp0:
0x1d: {  	s18 =	simm.s32 $0x1700;
	s0 =	sadd.s32 s8, s0;
	(pc) =	sbr.rel .LBB2_1-.Ltmp0, $4  }
0x1e: {  	s6 =	simm.s32 $0x0;
	[dreg:$0x11] =	wrdreg s0;
	s0 =	sshrl.u32 s24, $0x3  }
0x1f: {  	s24 =	sadd.s32 s25, s12;
	s25 =	simm.s32 $0x5;
	s0 =	sadd.s32 s8, s0  }
0x20: {  	[dreg:$0x13] =	wrdreg s0;
	s0 =	sadd.s32 s8, s26;
	s26 =	simm.s32 $0x1400  }
0x21: {  	v0 =	vimm.f32 $1.000000000e+00;
	s8 =	simm.s32 $0x2800;
	[dreg:$0x15] =	wrdreg s0;
	s0 =	simm.s32 $0x2  }
.LBB2_15:
0x22: {  	[bflag:$0x0] =	sbarrier.arrive $0xFFFF  }
0x23: {  	_ =	strace $0x9000004A  }
0x24: {  	_ =	strace $0x8000004B  }
0x25: {  	s20 =	rddreg [dreg:$0x7]  }
0x26: {  	[tilespmem:s29], [sflag:$0x5] =	stream.linear.gather [spmem:s20], $0x4000, $0x200038;
	[tilespmem:$0x1ED80] =	vst v63  }
0x27: {  	_ =	swait.ge [sflag:s25], $0x4000  }
0x28: {  	[sflag:s25] =	ssyncset.done $0x0  }
0x29: {  	s4 =	rddreg [dreg:$0xd];
	[sflag:s25] =	ssyncadd.s32 $0xFFFFC000  }
0x2a: {  	[hbm4b:s4+s3] =	stream.linear.scatter [tilespmem:s29], [sflag:$0x5], $0x4000, $0x200038;
	[tilespmem:$0x1ED80] =	vst v63  }
0x2b: {  	_ =	swait.ge [sflag:s25], $0x4000  }
0x2c: {  	[sflag:s25] =	ssyncset.done $0x0  }
0x2d: {  	s23 =	rddreg [dreg:$0xe];
	[sflag:s25] =	ssyncadd.s32 $0xFFFFC000  }
0x2e: {  	[tilespmem:s29], [sflag:$0x5] =	stream.linear.gather [spmem:s23], $0x4000, $0x200038;
	[tilespmem:$0x1ED80] =	vst v63  }
0x2f: {  	_ =	swait.ge [sflag:s25], $0x4000  }
0x30: {  	[sflag:s25] =	ssyncset.done $0x0  }
0x31: {  	s5 =	rddreg [dreg:$0xf];
	[sflag:s25] =	ssyncadd.s32 $0xFFFFC000  }
0x32: {  	[hbm4b:s5+s3] =	stream.linear.scatter [tilespmem:s29], [sflag:$0x5], $0x4000, $0x200038;
	[tilespmem:$0x1ED80] =	vst v63  }
0x33: {  	_ =	swait.ge [sflag:s25], $0x4000  }
0x34: {  	[sflag:s25] =	ssyncset.done $0x0  }
0x35: {  	s6 =	rddreg [dreg:$0x10];
	[sflag:s25] =	ssyncadd.s32 $0xFFFFC000  }
0x36: {  	[tilespmem:s29], [sflag:$0x5] =	stream.linear.gather [spmem:s6], $0x4000, $0x200038;
	[tilespmem:$0x1ED80] =	vst v63  }
0x37: {  	_ =	swait.ge [sflag:s25], $0x4000  }
0x38: {  	[sflag:s25] =	ssyncset.done $0x0  }
0x39: {  	s9 =	rddreg [dreg:$0x11];
	[sflag:s25] =	ssyncadd.s32 $0xFFFFC000  }
0x3a: {  	[hbm4b:s9+s3] =	stream.linear.scatter [tilespmem:s29], [sflag:$0x5], $0x4000, $0x200038;
	[tilespmem:$0x1ED80] =	vst v63  }
0x3b: {  	_ =	swait.ge [sflag:s25], $0x4000  }
0x3c: {  	[sflag:s25] =	ssyncset.done $0x0  }
0x3d: {  	s10 =	rddreg [dreg:$0x12];
	[sflag:s25] =	ssyncadd.s32 $0xFFFFC000  }
0x3e: {  	[tilespmem:s29], [sflag:$0x5] =	stream.linear.gather [spmem:s10], $0x4000, $0x200038;
	[tilespmem:$0x1ED80] =	vst v63  }
0x3f: {  	_ =	swait.ge [sflag:s25], $0x4000  }
0x40: {  	[sflag:s25] =	ssyncset.done $0x0  }
0x41: {  	s11 =	rddreg [dreg:$0x13];
	[sflag:s25] =	ssyncadd.s32 $0xFFFFC000  }
0x42: {  	[hbm4b:s11+s3] =	stream.linear.scatter [tilespmem:s29], [sflag:$0x5], $0x4000, $0x200038;
	[tilespmem:$0x1ED80] =	vst v63  }
0x43: {  	_ =	swait.ge [sflag:s25], $0x4000  }
0x44: {  	[sflag:s25] =	ssyncset.done $0x0  }
0x45: {  	s12 =	rddreg [dreg:$0x14];
	[sflag:s25] =	ssyncadd.s32 $0xFFFFC000  }
0x46: {  	[tilespmem:s29], [sflag:$0x5] =	stream.linear.gather [spmem:s12], $0x4000, $0x200038;
	[tilespmem:$0x1ED80] =	vst v63  }
0x47: {  	_ =	swait.ge [sflag:s25], $0x4000  }
0x48: {  	[sflag:s25] =	ssyncset.done $0x0  }
0x49: {  	s21 =	rddreg [dreg:$0x15];
	[sflag:s25] =	ssyncadd.s32 $0xFFFFC000  }
0x4a: {  	[hbm4b:s21+s3] =	stream.linear.scatter [tilespmem:s29], [sflag:$0x5], $0x4000, $0x200038;
	[tilespmem:$0x1ED80] =	vst v63  }
0x4b: {  	_ =	swait.ge [sflag:s25], $0x4000  }
0x4c: {  	[sflag:s25] =	ssyncset.done $0x0  }
0x4d: {  	s4 =	simm.s32 @!p0 $0x2880;
	s5 =	rddreg [dreg:$0x8];
	[sflag:s25] =	ssyncadd.s32 $0xFFFFC000  }
0x4e: {  	[tilespmem:s4], [sflag:$0x5] =	stream.linear.gather @!p0 [spmem:s5], $0x280, $0x200038;
	[tilespmem:$0x1ED80] =	vst v63  }
0x4f: {  	s5 =	simm.s32 @!p0 $0x5  }
0x50: {  	_ =	swait.ge @!p0 [sflag:s5], $0x280  }
0x51: {  	[sflag:s5] =	ssyncset.done @!p0 $0x0  }
0x52: {  	s6 =	simm.s32 @!p0 $0x0;
	s9 =	rddreg [dreg:$0xb];
	[sflag:s5] =	ssyncadd.s32 @!p0 $0xFFFFFD80  }
0x53: {  	[hbm4b:s9+s6] =	stream.linear.scatter @!p0 [tilespmem:s4], [sflag:$0x5], $0x280, $0x200038;
	[tilespmem:$0x1ED80] =	vst v63  }
0x54: {  	_ =	swait.ge @!p0 [sflag:s5], $0x280  }
0x55: {  	s22 =	rddreg [dreg:$0x16]  }
0x56: {  	s23 =	rddreg [dreg:$0xc];
	s6 =	sadd.s32 $0x1, s22  }
0x57: {  	p1 =	sne.s32 s6, s23  }
.Ltmp1:
0x58: {  	_ = 	snop;
	(pc) =	sbr.rel @!p1 .LBB2_16-.Ltmp1, $4  }
0x59: {  	_ = 	snop  }
0x5a: {  	[sflag:s5] =	ssyncset.done @!p0 $0x0  }
0x5b: {  	[sflag:s5] =	ssyncadd.s32 @!p0 $0xFFFFFD80  }
0x5c: {  	_ =	strace $0x9000004B  }
.LBB2_1:
0x5d: {  	[dreg:$0x16] =	wrdreg s6;
	s4 =	stileid.u32  }
0x5e: {  	s5 =	sshrl.u32 s20, $0x3;
	s4 =	sshll.u32 s4, $0x6;
	_ =	strace $0x80000048  }
.Ltmp2:
0x5f: {  	s4 =	sor.u32 $0x1C05, s4;
	s23 =	rddreg [dreg:$0x6];
	(pc) =	sbr.rel @!p0 .LBB2_2-.Ltmp2, $4  }
0x60: {  	[spmem:s5], [sflag:s4] =	dma.local [hbm:s23], $0x2800  }
0x61: {  	_ =	swait.ge [sflag:s25], $0x2800  }
0x62: {  	[sflag:s25] =	ssyncset.done $0x0  }
0x63: {  	[sflag:s25] =	ssyncadd.s32 $0xFFFFD800  }
.Ltmp3:
0x64: {  	(pc) =	sbr.rel .LBB2_9-.Ltmp3, $4  }
0x65: {  	_ = 	snop  }
0x66: {  	[bflag:$0x0] =	sbarrier.arrive $0xFFFF  }
0x67: {  	_ =	strace $0x90000048  }
0x68: {  	s9 =	simm.s32 $0x48;
	_ =	strace $0x80000049  }
.LBB2_2:
0x69: {  	s5 =	rddreg [dreg:$0x8]  }
0x6a: {  	s6 =	rddreg [dreg:$0xa];
	s5 =	sshrl.u32 s5, $0x3  }
0x6b: {  	[spmem:s5], [sflag:s4] =	dma.local [hbm:s6], $0x50  }
0x6c: {  	_ =	swait.ge [sflag:s25], $0x50  }
0x6d: {  	[sflag:s25] =	ssyncset.done $0x0  }
0x6e: {  	[sflag:s25] =	ssyncadd.s32 $0xFFFFFFB0  }
0x6f: {  	[tilespmem:$0x2800] =	vst v0  }
0x70: {  	[tilespmem:$0x2810] =	vst v0  }
0x71: {  	[tilespmem:$0x2820] =	vst v0  }
0x72: {  	[tilespmem:$0x2830] =	vst v0  }
0x73: {  	[tilespmem:$0x2840] =	vst v0  }
0x74: {  	p2 =	por $0x0, $0x0;
	[tilespmem:$0x2850] =	vst v0  }
.Ltmp4:
0x75: {  	[tilespmem:$0x2860] =	vst v0;
	(pc) =	sbr.rel @p2 .LBB2_7-.Ltmp4, $4  }
0x76: {  	[tilespmem:$0x2870] =	vst v0  }
0x77: {  	[bflag:$0x0] =	sbarrier.arrive $0xFFFF  }
0x78: {  	s21 =	simm.s32 $0x80;
	_ =	strace $0x90000048  }
0x79: {  	p1 =	por $0x0, $0x0;
	s4 =	simm.s32 $0x0;
	_ =	strace $0x80000049  }
0x7a: {  	s4 =	sadd.s32 $0x0, s24  }
0x7b: {  	[tilespmem:s26], [sflag:$0x5] =	stream.linear.gather [hbm4b:s4+s3], $0x400, $0x200038;
	[tilespmem:$0x1ED80] =	vst v63  }
0x7c: {  	_ =	swait.ge [sflag:s25], $0x400  }
0x7d: {  	[sflag:s25] =	ssyncset.done $0x0  }
0x7e: {  	[sflag:s25] =	ssyncadd.s32 $0xFFFFFC00  }
0x7f: {  	[spmem:s2] =	stream.indirect.scatter.add.f32 [tilespmem:s8], [sflag:$0x5], $0x1, s26, s28, $0x2000b8;
	[tilespmem:$0x1ED80] =	vst v63  }
0x80: {  	_ =	swait.ge [sflag:s25], $0x80  }
0x81: {  	[sflag:s25] =	ssyncset.done $0x0  }
0x82: {  	[sflag:s25] =	ssyncadd.s32 $0xFFFFFF80  }
0x83: {  	[spmem:s2] =	stream.indirect.scatter.add.f32 [tilespmem:s8], [sflag:$0x5], $0x1, s13, s28, $0x2000b8;
	[tilespmem:$0x1ED80] =	vst v63  }
0x84: {  	_ =	swait.ge [sflag:s25], $0x80  }
0x85: {  	[sflag:s25] =	ssyncset.done $0x0  }
0x86: {  	[sflag:s25] =	ssyncadd.s32 $0xFFFFFF80  }
0x87: {  	[spmem:s2] =	stream.indirect.scatter.add.f32 [tilespmem:s8], [sflag:$0x5], $0x1, s14, s28, $0x2000b8;
	[tilespmem:$0x1ED80] =	vst v63  }
0x88: {  	_ =	swait.ge [sflag:s25], $0x80  }
0x89: {  	[sflag:s25] =	ssyncset.done $0x0  }
0x8a: {  	[sflag:s25] =	ssyncadd.s32 $0xFFFFFF80  }
0x8b: {  	[spmem:s2] =	stream.indirect.scatter.add.f32 [tilespmem:s8], [sflag:$0x5], $0x1, s15, s28, $0x2000b8;
	[tilespmem:$0x1ED80] =	vst v63  }
0x8c: {  	_ =	swait.ge [sflag:s25], $0x80  }
0x8d: {  	[sflag:s25] =	ssyncset.done $0x0  }
0x8e: {  	[sflag:s25] =	ssyncadd.s32 $0xFFFFFF80  }
0x8f: {  	[spmem:s2] =	stream.indirect.scatter.add.f32 [tilespmem:s8], [sflag:$0x5], $0x1, s16, s28, $0x2000b8;
	[tilespmem:$0x1ED80] =	vst v63  }
0x90: {  	_ =	swait.ge [sflag:s25], $0x80  }
0x91: {  	[sflag:s25] =	ssyncset.done $0x0  }
0x92: {  	[sflag:s25] =	ssyncadd.s32 $0xFFFFFF80  }
0x93: {  	[spmem:s2] =	stream.indirect.scatter.add.f32 [tilespmem:s8], [sflag:$0x5], $0x1, s17, s28, $0x2000b8;
	[tilespmem:$0x1ED80] =	vst v63  }
0x94: {  	_ =	swait.ge [sflag:s25], $0x80  }
0x95: {  	[sflag:s25] =	ssyncset.done $0x0  }
0x96: {  	[sflag:s25] =	ssyncadd.s32 $0xFFFFFF80  }
0x97: {  	[spmem:s2] =	stream.indirect.scatter.add.f32 [tilespmem:s8], [sflag:$0x5], $0x1, s18, s28, $0x2000b8;
	[tilespmem:$0x1ED80] =	vst v63  }
0x98: {  	p2 =	por $0x0, $0x0;
	_ =	swait.ge [sflag:s25], $0x80  }
.Ltmp5:
0x99: {  	[sflag:s25] =	ssyncset.done $0x0;
	(pc) =	sbr.rel @p2 .LBB2_4-.Ltmp5, $4  }
0x9a: {  	[sflag:s25] =	ssyncadd.s32 $0xFFFFFF80  }
0x9b: {  	[spmem:s2] =	stream.indirect.scatter.add.f32 [tilespmem:s8], [sflag:$0x5], $0x1, s19, s28, $0x2000b8;
	[tilespmem:$0x1ED80] =	vst v63  }
0x9c: {  	_ =	swait.ge [sflag:s25], $0x80  }
0x9d: {  	p1 =	por $0x1, $0x1;
	s4 =	simm.s32 $0x100;
	[sflag:s25] =	ssyncset.done $0x0  }
.LBB2_5:
0x9e: {  	s5 =	sadd.s32 s21, s24  }
0x9f: {  	[sflag:s25] =	ssyncadd.s32 $0xFFFFFF80;
	s21 =	smov.u32 s4;
	s9 =	sadd.s32 $0x80, s4  }
0xa0: {  	[tilespmem:s26], [sflag:$0x5] =	stream.linear.gather [hbm4b:s5+s3], $0x400, $0x200038;
	[tilespmem:$0x1ED80] =	vst v63  }
0xa1: {  	p2 =	seq.s32 s4, $0x480;
	_ =	swait.ge [sflag:s25], $0x400  }
0xa2: {  	[sflag:s25] =	ssyncset.done $0x0  }
0xa3: {  	[sflag:s25] =	ssyncadd.s32 $0xFFFFFC00  }
0xa4: {  	[spmem:s2] =	stream.indirect.scatter.add.f32 [tilespmem:s8], [sflag:$0x5], $0x1, s26, s28, $0x2000b8;
	[tilespmem:$0x1ED80] =	vst v63  }
0xa5: {  	_ =	swait.ge [sflag:s25], $0x80  }
0xa6: {  	[sflag:s25] =	ssyncset.done $0x0  }
0xa7: {  	[sflag:s25] =	ssyncadd.s32 $0xFFFFFF80  }
0xa8: {  	[spmem:s2] =	stream.indirect.scatter.add.f32 [tilespmem:s8], [sflag:$0x5], $0x1, s13, s28, $0x2000b8;
	[tilespmem:$0x1ED80] =	vst v63  }
0xa9: {  	_ =	swait.ge [sflag:s25], $0x80  }
0xaa: {  	[sflag:s25] =	ssyncset.done $0x0  }
0xab: {  	[sflag:s25] =	ssyncadd.s32 $0xFFFFFF80  }
0xac: {  	[spmem:s2] =	stream.indirect.scatter.add.f32 [tilespmem:s8], [sflag:$0x5], $0x1, s14, s28, $0x2000b8;
	[tilespmem:$0x1ED80] =	vst v63  }
0xad: {  	_ =	swait.ge [sflag:s25], $0x80  }
0xae: {  	[sflag:s25] =	ssyncset.done $0x0  }
0xaf: {  	[sflag:s25] =	ssyncadd.s32 $0xFFFFFF80  }
0xb0: {  	[spmem:s2] =	stream.indirect.scatter.add.f32 [tilespmem:s8], [sflag:$0x5], $0x1, s15, s28, $0x2000b8;
	[tilespmem:$0x1ED80] =	vst v63  }
0xb1: {  	_ =	swait.ge [sflag:s25], $0x80  }
0xb2: {  	[sflag:s25] =	ssyncset.done $0x0  }
0xb3: {  	[sflag:s25] =	ssyncadd.s32 $0xFFFFFF80  }
0xb4: {  	[spmem:s2] =	stream.indirect.scatter.add.f32 [tilespmem:s8], [sflag:$0x5], $0x1, s16, s28, $0x2000b8;
	[tilespmem:$0x1ED80] =	vst v63  }
0xb5: {  	_ =	swait.ge [sflag:s25], $0x80  }
0xb6: {  	[sflag:s25] =	ssyncset.done $0x0  }
0xb7: {  	[sflag:s25] =	ssyncadd.s32 $0xFFFFFF80  }
0xb8: {  	[spmem:s2] =	stream.indirect.scatter.add.f32 [tilespmem:s8], [sflag:$0x5], $0x1, s17, s28, $0x2000b8;
	[tilespmem:$0x1ED80] =	vst v63  }
0xb9: {  	_ =	swait.ge [sflag:s25], $0x80  }
0xba: {  	[sflag:s25] =	ssyncset.done $0x0  }
0xbb: {  	[sflag:s25] =	ssyncadd.s32 $0xFFFFFF80  }
0xbc: {  	[spmem:s2] =	stream.indirect.scatter.add.f32 [tilespmem:s8], [sflag:$0x5], $0x1, s18, s28, $0x2000b8;
	[tilespmem:$0x1ED80] =	vst v63  }
0xbd: {  	_ =	swait.ge [sflag:s25], $0x80  }
.Ltmp6:
0xbe: {  	[sflag:s25] =	ssyncset.done $0x0;
	(pc) =	sbr.rel @!p2 .LBB2_5-.Ltmp6, $4  }
0xbf: {  	[sflag:s25] =	ssyncadd.s32 $0xFFFFFF80  }
0xc0: {  	[spmem:s2] =	stream.indirect.scatter.add.f32 [tilespmem:s8], [sflag:$0x5], $0x1, s19, s28, $0x2000b8;
	[tilespmem:$0x1ED80] =	vst v63  }
0xc1: {  	_ =	swait.ge [sflag:s25], $0x80  }
0xc2: {  	s4 =	smov.u32 s9;
	[sflag:s25] =	ssyncset.done $0x0  }
0xc3: {  	s4 =	smov.u32 s21  }
.LBB2_7:
0xc4: {  	s4 =	sadd.s32 s4, s24;
	[sflag:s25] =	ssyncadd.s32 @p1 $0xFFFFFF80  }
0xc5: {  	[tilespmem:s26], [sflag:$0x5] =	stream.linear.gather [hbm4b:s4+s3], $0x400, $0x200038;
	[tilespmem:$0x1ED80] =	vst v63  }
0xc6: {  	_ =	swait.ge [sflag:s25], $0x400  }
0xc7: {  	[sflag:s25] =	ssyncset.done $0x0  }
0xc8: {  	[sflag:s25] =	ssyncadd.s32 $0xFFFFFC00  }
0xc9: {  	[spmem:s2] =	stream.indirect.scatter.add.f32 [tilespmem:s8], [sflag:$0x5], $0x1, s26, s28, $0x2000b8;
	[tilespmem:$0x1ED80] =	vst v63  }
0xca: {  	_ =	swait.ge [sflag:s25], $0x80  }
0xcb: {  	[sflag:s25] =	ssyncset.done $0x0  }
0xcc: {  	[sflag:s25] =	ssyncadd.s32 $0xFFFFFF80  }
0xcd: {  	[spmem:s2] =	stream.indirect.scatter.add.f32 [tilespmem:s8], [sflag:$0x5], $0x1, s13, s28, $0x2000b8;
	[tilespmem:$0x1ED80] =	vst v63  }
0xce: {  	_ =	swait.ge [sflag:s25], $0x80  }
0xcf: {  	[sflag:s25] =	ssyncset.done $0x0  }
0xd0: {  	[sflag:s25] =	ssyncadd.s32 $0xFFFFFF80  }
0xd1: {  	[spmem:s2] =	stream.indirect.scatter.add.f32 [tilespmem:s8], [sflag:$0x5], $0x1, s14, s28, $0x2000b8;
	[tilespmem:$0x1ED80] =	vst v63  }
0xd2: {  	_ =	swait.ge [sflag:s25], $0x80  }
0xd3: {  	[sflag:s25] =	ssyncset.done $0x0  }
0xd4: {  	[sflag:s25] =	ssyncadd.s32 $0xFFFFFF80  }
0xd5: {  	[spmem:s2] =	stream.indirect.scatter.add.f32 [tilespmem:s8], [sflag:$0x5], $0x1, s15, s28, $0x2000b8;
	[tilespmem:$0x1ED80] =	vst v63  }
0xd6: {  	_ =	swait.ge [sflag:s25], $0x80  }
0xd7: {  	[sflag:s25] =	ssyncset.done $0x0  }
0xd8: {  	[sflag:s25] =	ssyncadd.s32 $0xFFFFFF80  }
0xd9: {  	[spmem:s2] =	stream.indirect.scatter.add.f32 [tilespmem:s8], [sflag:$0x5], $0x1, s16, s28, $0x2000b8;
	[tilespmem:$0x1ED80] =	vst v63  }
0xda: {  	_ =	swait.ge [sflag:s25], $0x80  }
0xdb: {  	[sflag:s25] =	ssyncset.done $0x0  }
0xdc: {  	[sflag:s25] =	ssyncadd.s32 $0xFFFFFF80  }
0xdd: {  	[spmem:s2] =	stream.indirect.scatter.add.f32 [tilespmem:s8], [sflag:$0x5], $0x1, s17, s28, $0x2000b8;
	[tilespmem:$0x1ED80] =	vst v63  }
0xde: {  	_ =	swait.ge [sflag:s25], $0x80  }
0xdf: {  	[sflag:s25] =	ssyncset.done $0x0  }
0xe0: {  	[sflag:s25] =	ssyncadd.s32 $0xFFFFFF80  }
0xe1: {  	[spmem:s2] =	stream.indirect.scatter.add.f32 [tilespmem:s8], [sflag:$0x5], $0x1, s18, s28, $0x2000b8;
	[tilespmem:$0x1ED80] =	vst v63  }
0xe2: {  	_ =	swait.ge [sflag:s25], $0x80  }
0xe3: {  	[sflag:s25] =	ssyncset.done $0x0  }
0xe4: {  	[sflag:s25] =	ssyncadd.s32 $0xFFFFFF80  }
0xe5: {  	[spmem:s2] =	stream.indirect.scatter.add.f32 [tilespmem:s8], [sflag:$0x5], $0x1, s19, s28, $0x2000b8;
	[tilespmem:$0x1ED80] =	vst v63  }
0xe6: {  	_ =	swait.ge [sflag:s25], $0x80  }
0xe7: {  	[sflag:s25] =	ssyncset.done $0x0  }
0xe8: {  	s9 =	simm.s32 $0x8;
	[sflag:s25] =	ssyncadd.s32 $0xFFFFFF80  }
.LBB2_9:
.Ltmp7:
0xe9: {  	s4 =	sor.u32 $0x20, s9;
	(pc) =	sbr.rel .LBB2_10-.Ltmp7, $4  }
0xea: {  	s4 =	smul.u32 $0x67, s4  }
0xeb: {  	_ =	strace $0x90000049  }
0xec: {  	_ =	strace $0x8000004A;
	[dreg:$0x17] =	wrdreg s9;
	s4 =	sshrl.u32 s4, $0xC  }
0xed: {  	s23 =	simm.s32 $0x0;
	[dreg:$0x18] =	wrdreg s4  }
.LBB2_13:
0xee: {  	[sflag:s4] =	ssyncadd.s32 @!p1 $0xFFFFC000  }
0xef: {  	[tilespmem:s21], [sflag:$0x2] =	stream.indirect.gather @!p1 [hbm4b:s7+s12], $0x80, s5, s12, $0x2000b8;
	[tilespmem:$0x1ED80] =	vst v63  }
0xf0: {  	_ =	swait.ge [sflag:s31], $0x4000  }
0xf1: {  	[sflag:s31] =	ssyncset.done $0x0  }
0xf2: {  	s20 =	sadd.s32 $0x80, s20;
	[sflag:s31] =	ssyncadd.s32 $0xFFFFC000  }
0xf3: {  	[spmem:s1] =	stream.indirect.scatter.add.f32 [tilespmem:s29], [sflag:$0x3], $0x80, s20, s28, $0x2000b8;
	[tilespmem:$0x1ED80] =	vst v63  }
0xf4: {  	_ =	swait.ge [sflag:s0], $0x4000  }
0xf5: {  	[sflag:s0] =	ssyncset.done $0x0  }
0xf6: {  	s21 =	simm.s32 $0x3;
	[sflag:s0] =	ssyncadd.s32 $0xFFFFC000  }
0xf7: {  	[spmem:s1] =	stream.indirect.scatter.add.f32 [tilespmem:s30], [sflag:$0x4], $0x80, s10, s28, $0x2000b8;
	[tilespmem:$0x1ED80] =	vst v63  }
0xf8: {  	_ =	swait.ge [sflag:s21], $0x4000  }
0xf9: {  	[sflag:s21] =	ssyncset.done $0x0  }
0xfa: {  	s22 =	simm.s32 $0x4;
	[sflag:s21] =	ssyncadd.s32 $0xFFFFC000  }
0xfb: {  	_ =	swait.ge [sflag:s22], $0x4000  }
0xfc: {  	[sflag:s22] =	ssyncset.done $0x0  }
0xfd: {  	s9 =	rddreg [dreg:$0x17];
	[sflag:s22] =	ssyncadd.s32 $0xFFFFC000  }
.LBB2_14:
0xfe: {  	s23 =	sadd.s32 $0x1, s23;
	s4 =	rddreg [dreg:$0x18]  }
0xff: {  	p1 =	sne.s32 s23, s4  }
.Ltmp8:
0x100: {  	_ = 	snop;
	(pc) =	sbr.rel @!p1 .LBB2_15-.Ltmp8, $1  }
0x101: {  	_ =	sdelay $0x3  }
.LBB2_10:
0x102: {  	s4 =	smul.u32 $0x28, s23  }
0x103: {  	s5 =	rddreg [dreg:$0x9]  }
0x104: {  	s5 =	sadd.s32 s5, s4  }
0x105: {  	s6 =	rddreg [dreg:$0x4];
	s5 =	sshll.u32 s5, $0x4  }
0x106: {  	s4 =	ssub.s32 s9, s4;
	s6 =	sadd.s32 s6, s5  }
0x107: {  	[tilespmem:s3], [sflag:$0x5] =	stream.linear.gather [hbm4b:s6+s3], $0x1400, $0x200038;
	[tilespmem:$0x1ED80] =	vst v63  }
0x108: {  	p1 =	slt.s32 s4, $0x28;
	_ =	swait.ge [sflag:s25], $0x1400  }
0x109: {  	s4 =	simm.s32 @!p1 $0x28;
	[sflag:s25] =	ssyncset.done $0x0;
	s22 =	rddreg [dreg:$0x5]  }
0x10a: {  	s4 =	sshra.s32 s4, $0x1;
	[sflag:s25] =	ssyncadd.s32 $0xFFFFEC00;
	s5 =	sadd.s32 s22, s5  }
0x10b: {  	[tilespmem:s26], [sflag:$0x5] =	stream.linear.gather [hbm4b:s5+s3], $0x1400, $0x200038;
	[tilespmem:$0x1ED80] =	vst v63  }
0x10c: {  	p1 =	slt.s32 s4, $0x1;
	_ =	swait.ge [sflag:s25], $0x1400  }
.Ltmp9:
0x10d: {  	[sflag:s25] =	ssyncset.done $0x0;
	(pc) =	sbr.rel @p1 .LBB2_14-.Ltmp9, $4  }
0x10e: {  	[sflag:s25] =	ssyncadd.s32 $0xFFFFEC00  }
0x10f: {  	[tilespmem:s29], [sflag:$0x1] =	stream.indirect.gather [hbm4b:s7+s28], $0x80, s3, s28, $0x2000b8;
	[tilespmem:$0x1ED80] =	vst v63  }
0x110: {  	_ = 	snop  }
0x111: {  	[tilespmem:s30], [sflag:$0x2] =	stream.indirect.gather [hbm4b:s7+s28], $0x80, s28, s28, $0x2000b8;
	[tilespmem:$0x1ED80] =	vst v63  }
0x112: {  	_ =	swait.ge [sflag:s31], $0x4000  }
0x113: {  	[sflag:s31] =	ssyncset.done $0x0  }
0x114: {  	s5 =	simm.s32 $0x1400;
	[sflag:s31] =	ssyncadd.s32 $0xFFFFC000  }
0x115: {  	[spmem:s1] =	stream.indirect.scatter.add.f32 [tilespmem:s29], [sflag:$0x3], $0x80, s5, s28, $0x2000b8;
	[tilespmem:$0x1ED80] =	vst v63  }
0x116: {  	s9 =	sadd.s32 $0xFFFFFFFF, s4;
	_ =	swait.ge [sflag:s0], $0x4000  }
0x117: {  	s20 =	simm.s32 $0x1480;
	p1 =	sle.s32 s9, $0x0;
	[sflag:s0] =	ssyncset.done $0x0  }
0x118: {  	s10 =	simm.s32 $0x1580;
	s4 =	simm.s32 @!p1 $0x3;
	[sflag:s0] =	ssyncadd.s32 $0xFFFFC000  }
0x119: {  	[spmem:s1] =	stream.indirect.scatter.add.f32 [tilespmem:s30], [sflag:$0x4], $0x80, s20, s28, $0x2000b8;
	[tilespmem:$0x1ED80] =	vst v63  }
0x11a: {  	p2 =	sne.s32 s9, $0x1;
	s12 =	simm.s32 @!p1 $0x80;
	_ =	swait.ge @!p1 [sflag:s4], $0x4000  }
.Ltmp10:
0x11b: {  	s6 =	simm.s32 @!p1 $0x100;
	[sflag:s4] =	ssyncset.done @!p1 $0x0;
	(pc) =	sbr.rel @!p2 .LBB2_13-.Ltmp10, $4  }
0x11c: {  	s5 =	simm.s32 @!p1 $0x2B00;
	[sflag:s4] =	ssyncadd.s32 @!p1 $0xFFFFC000;
	s4 =	simm.s32 @!p1 $0x4  }
0x11d: {  	[tilespmem:s5], [sflag:$0x1] =	stream.indirect.gather @!p1 [hbm4b:s7+s12], $0x80, s6, s12, $0x2000b8;
	[tilespmem:$0x1ED80] =	vst v63  }
0x11e: {  	s11 =	simm.s32 $0x180;
	s21 =	simm.s32 @!p1 $0x6B00;
	_ =	swait.ge @!p1 [sflag:s4], $0x4000  }
0x11f: {  	s5 =	simm.s32 $0x180;
	s6 =	simm.s32 $0x1;
	[sflag:s4] =	ssyncset.done @!p1 $0x0  }
.LBB2_12:
0x120: {  	s20 =	smov.u32 s10;
	s11 =	sadd.s32 $0x100, s11  }
0x121: {  	[sflag:s4] =	ssyncadd.s32 @!p1 $0xFFFFC000;
	s4 =	smov.u32 s6;
	s6 =	sadd.s32 $0x1, s6  }
0x122: {  	[tilespmem:s21], [sflag:$0x2] =	stream.indirect.gather @!p1 [hbm4b:s7+s12], $0x80, s5, s12, $0x2000b8;
	[tilespmem:$0x1ED80] =	vst v63  }
0x123: {  	p2 =	sne.s32 s9, s6;
	s5 =	smov.u32 s11;
	_ =	swait.ge [sflag:s31], $0x4000  }
0x124: {  	s12 =	sadd.s32 $0xFFFFFF80, s10;
	[sflag:s31] =	ssyncset.done $0x0  }
0x125: {  	[sflag:s31] =	ssyncadd.s32 $0xFFFFC000  }
0x126: {  	[spmem:s1] =	stream.indirect.scatter.add.f32 [tilespmem:s29], [sflag:$0x3], $0x80, s12, s28, $0x2000b8;
	[tilespmem:$0x1ED80] =	vst v63  }
0x127: {  	_ =	swait.ge [sflag:s0], $0x4000  }
0x128: {  	p1 =	sge.s32 s4, s9;
	[sflag:s0] =	ssyncset.done $0x0  }
0x129: {  	s4 =	simm.s32 @!p1 $0x3;
	[sflag:s0] =	ssyncadd.s32 $0xFFFFC000  }
0x12a: {  	[spmem:s1] =	stream.indirect.scatter.add.f32 [tilespmem:s30], [sflag:$0x4], $0x80, s10, s28, $0x2000b8;
	[tilespmem:$0x1ED80] =	vst v63  }
0x12b: {  	s21 =	simm.s32 @!p1 $0x2B00;
	s12 =	simm.s32 @!p1 $0x80;
	_ =	swait.ge @!p1 [sflag:s4], $0x4000  }
.Ltmp11:
0x12c: {  	s22 =	sadd.s32 @!p1 $0xFFFFFF80, s11;
	[sflag:s4] =	ssyncset.done @!p1 $0x0;
	(pc) =	sbr.rel @p2 .LBB2_12-.Ltmp11, $4  }
0x12d: {  	[sflag:s4] =	ssyncadd.s32 @!p1 $0xFFFFC000;
	s4 =	simm.s32 @!p1 $0x4  }
0x12e: {  	[tilespmem:s21], [sflag:$0x1] =	stream.indirect.gather @!p1 [hbm4b:s7+s12], $0x80, s22, s12, $0x2000b8;
	[tilespmem:$0x1ED80] =	vst v63  }
0x12f: {  	_ =	swait.ge @!p1 [sflag:s4], $0x4000  }
0x130: {  	s10 =	sadd.s32 $0x100, s10;
	s21 =	simm.s32 @!p1 $0x6B00;
	[sflag:s4] =	ssyncset.done @!p1 $0x0  }
.Ltmp12:
0x131: {  	_ = 	snop;
	(pc) =	sbr.rel .LBB2_13-.Ltmp12, $1  }
0x132: {  	_ =	sdelay $0x3  }
.LBB2_4:
.Ltmp13:
0x133: {  	(pc) =	sbr.rel .LBB2_7-.Ltmp13, $2  }
0x134: {  	_ =	sdelay $0x2  }
0x135: {  	s4 =	simm.s32 $0x80  }
.LBB2_16:
0x136: {  	_ =	sfence.sel $0x180000  }
0x137: {  	[bflag:$0x0] =	sbarrier.arrive $0xFFFF  }
0x138: {  	_ =	strace $0x90000047  }
0x139: {  	s0 =	stileid.u32;
	[bflag:$0x2] =	sbarrier.arrive $0xFFFF  }
0x13a: {  	p0 =	sne.s32 s0, $0x0;
	s0 =	rddreg [dreg:$0x3]  }
0x13b: {  	s0 =	sadd.s32 @!p0 $0x100000, s0  }
0x13c: {  	[sflag:s0] =	ssyncadd.tile.s32 @!p0 $0x1;
	_ =	shalt  }
.Lfunc_end2:
_tile_overlayer_lowered:
.L_overlay_start_2:
0x13d: {  	(tag) =	ssettag $0x2  }
0x13e: {  	s0 =	rddreg [dreg:$0x0];
	s2 =	stileid.u32  }
0x13f: {  	s1 =	rddreg [dreg:$0x1];
	p0 =	sne.s32 s2, $0x0  }
0x140: {  	s3 =	rddreg [dreg:$0x2];
	[bflag:$0x3] =	sbarrier.arrive $0xFFFF;
	s2 =	simm.s32 @!p0 $0x1C05  }
0x141: {  	[timem:s3], [sflag:s2] =	dma.local @!p0 [hbm:s0], s1  }
0x142: {  	s0 =	simm.s32 @!p0 $0x5  }
0x143: {  	_ =	swait.ge @!p0 [sflag:s0], s1  }
0x144: {  	s1 =	ssub.s32 @!p0 $0x0, s1;
	[sflag:s0] =	ssyncset.done @!p0 $0x0  }
0x145: {  	[sflag:s0] =	ssyncadd.s32 @!p0 s1  }
0x146: {  	[bflag:$0x3] =	sbarrier.arrive $0xFFFF  }
0x147: {  	_ =	shalt  }

// kernel: kernel.9.cloned.1.call-start
scs
__scs_entry_jumppad:
0x0: {  	(pc) =	sbr.rel $0x88, $3  }
0x1: {  	(tag) =	ssettag $0x0;
	lr =	simm.s32 $0x1  }
0x2: {  	[smem:$0x3F9A] =	sst lr;
	_ =	strace $0xD0000000  }
0x3: {  	_ = 	snop  }
0x4: {  	_ = 	snop  }
0x5: {  	_ = 	snop  }
0x6: {  	_ = 	snop  }
0x7: {  	_ = 	snop  }
__scs_overlays_trampoline_lowered:
0x8: {  	[smem:$0x3FA9] =	sst s0  }
0x9: {  	[smem:$0x3FAA] =	sst s1  }
0xa: {  	[smem:$0x3FAB] =	sst s2  }
0xb: {  	[smem:$0x3FAC] =	sst s3  }
0xc: {  	[smem:$0x3FAD] =	sst s4  }
0xd: {  	[smem:$0x3FAE] =	sst s5  }
0xe: {  	[smem:$0x3FAF] =	sst s6  }
0xf: {  	[smem:$0x3FB0] =	sst s7  }
0x10: {  	[smem:$0x3FB1] =	sst s8  }
0x11: {  	[smem:$0x3FB2] =	sst s9;
	s0 =	simm.s32 @!p0 $0x0  }
0x12: {  	s1 =	sld [smem:$0x3F98];
	s0 =	simm.s32 @p0 $0x1  }
0x13: {  	[smem:$0x3FB3] =	sst s0;
	s0 =	simm.s32 @!p1 $0x0  }
0x14: {  	s2 =	sld [smem:$0x3F97];
	s0 =	simm.s32 @p1 $0x1  }
0x15: {  	[smem:$0x3FB4] =	sst s0;
	s0 =	simm.s32 @!p2 $0x0  }
0x16: {  	s3 =	sld [smem:$0x3FDB];
	s0 =	simm.s32 @p2 $0x1  }
0x17: {  	s4 =	simm.s32 $0x1BF5;
	[smem:$0x3FB6] =	sst s0  }
0x18: {  	s0 =	sld [smem:$0x3F99];
	_ =	swait.ge [sflag:s4], $0x0  }
0x19: {  	s7 =	sld [smem:$0x3F9A]  }
0x1a: {  	s8 =	sadd.s32 $0xFFFFE003, lr  }
0x1b: {  	s9 =	sadd.s32 $0xFFFFFEF7, lr;
	s5 =	simm.s32 $0xFFFFFFFF;
	p2 =	slt.u32 s8, $0xFFFFF086  }
0x1c: {  	p1 =	slt.u32 s9, $0xF7A;
	s5 =	simm.s32 @!p2 $0x0  }
0x1d: {  	s5 =	simm.s32 @p1 $0x1;
	p0 =	seq.s32 s7, s2  }
0x1e: {  	s7 =	smul.u32 @!p0 $0xF7A, s2;
	p2 =	seq.s32 @!p0 s5, $0x0  }
0x1f: {  	s9 =	smul.u32 $0xF7A, s1;
	s8 =	simm.s32 @!p0 $0x1BF5;
	p2 =	por !p2, p0  }
0x20: {  	[sflag:s8] =	ssyncset.s32 @!p0 $0xFFFFF086;
	s6 =	sadd.s32 @!p0 s3, s7;
	s7 =	simm.s32 @!p0 $0x108  }
0x21: {  	s3 =	sadd.s32 s3, s9;
	s6 =	sadd.s32 @!p0 $0x88, s6;
	s7 =	simm.s32 @p2 $0x1082  }
0x22: {  	[simem:s7], [sflag:s8] =	dma.local @!p0 [hbm:s6], $0xF7A  }
0x23: {  	s9 =	sor.u32 $0xD0000000, s2;
	s6 =	simm.s32 $0x108;
	_ =	swait.ge @!p0 [sflag:s8], $0x0  }
0x24: {  	s3 =	sadd.s32 $0x88, s3;
	s6 =	simm.s32 @!p1 $0x1082;
	[sflag:s4] =	ssyncset.s32 $0xFFFFF086  }
0x25: {  	[simem:s6], [sflag:s4] =	dma.local [hbm:s3], $0xF7A  }
0x26: {  	[smem:$0x3F9A] =	sst s1;
	(tag) =	ssettag s2;
	_ =	strace s9  }
0x27: {  	s1 =	sld [smem:$0x3FAA]  }
0x28: {  	s2 =	sld [smem:$0x3FAB]  }
0x29: {  	s4 =	sld [smem:$0x3FAD]  }
0x2a: {  	p0 =	seq.s32 s5, $0x0;
	s5 =	sld [smem:$0x3FAE]  }
0x2b: {  	s6 =	sld [smem:$0x3FAF]  }
0x2c: {  	s7 =	sld [smem:$0x3FB0]  }
0x2d: {  	s3 =	simm.s32 $0x108;
	s8 =	sld [smem:$0x3FB1]  }
0x2e: {  	s3 =	simm.s32 @!p0 $0x1082;
	s9 =	sld [smem:$0x3FB2]  }
0x2f: {  	lr =	sadd.s32 s0, s3;
	s0 =	sld [smem:$0x3FA9]  }
0x30: {  	s3 =	sld [smem:$0x3FAC]  }
0x31: {  	[smem:$0x3FB5] =	sst s10  }
0x32: {  	s10 =	sld [smem:$0x3FB3];
	_ =	sdelay $0x3  }
0x33: {  	p0 =	seq.s32 s10, $0x1;
	s10 =	sld [smem:$0x3FB5];
	_ =	sdelay $0x3  }
0x34: {  	[smem:$0x3FB5] =	sst s10  }
0x35: {  	s10 =	sld [smem:$0x3FB4];
	_ =	sdelay $0x3  }
0x36: {  	p1 =	seq.s32 s10, $0x1;
	s10 =	sld [smem:$0x3FB5];
	_ =	sdelay $0x3  }
0x37: {  	[smem:$0x3FB5] =	sst s10  }
0x38: {  	s10 =	sld [smem:$0x3FB6]  }
0x39: {  	_ = 	snop;
	(pc) =	sbr.ind lr, $3  }
0x3a: {  	_ = 	snop  }
0x3b: {  	_ = 	snop  }
0x3c: {  	p2 =	seq.s32 s10, $0x1;
	s10 =	sld [smem:$0x3FB5]  }
0x3d: {  	_ =	shalt  }
0x3e: {  	_ =	shalt  }
0x3f: {  	_ =	shalt  }
0x40: {  	_ =	shalt  }
0x41: {  	_ =	shalt  }
0x42: {  	_ =	shalt  }
0x43: {  	_ =	shalt  }
0x44: {  	_ =	shalt  }
0x45: {  	_ =	shalt  }
0x46: {  	_ =	shalt  }
0x47: {  	_ =	shalt  }
0x48: {  	_ =	shalt  }
0x49: {  	_ =	shalt  }
0x4a: {  	_ =	shalt  }
0x4b: {  	_ =	shalt  }
0x4c: {  	_ =	shalt  }
0x4d: {  	_ =	shalt  }
0x4e: {  	_ =	shalt  }
0x4f: {  	_ =	shalt  }
0x50: {  	_ =	shalt  }
0x51: {  	_ =	shalt  }
0x52: {  	_ =	shalt  }
0x53: {  	_ =	shalt  }
0x54: {  	_ =	shalt  }
0x55: {  	_ =	shalt  }
0x56: {  	_ =	shalt  }
0x57: {  	_ =	shalt  }
0x58: {  	_ =	shalt  }
0x59: {  	_ =	shalt  }
0x5a: {  	_ =	shalt  }
0x5b: {  	_ =	shalt  }
0x5c: {  	_ =	shalt  }
0x5d: {  	_ =	shalt  }
0x5e: {  	_ =	shalt  }
0x5f: {  	_ =	shalt  }
0x60: {  	_ =	shalt  }
0x61: {  	_ =	shalt  }
0x62: {  	_ =	shalt  }
0x63: {  	_ =	shalt  }
0x64: {  	_ =	shalt  }
0x65: {  	_ =	shalt  }
0x66: {  	_ =	shalt  }
0x67: {  	_ =	shalt  }
0x68: {  	_ =	shalt  }
0x69: {  	_ =	shalt  }
0x6a: {  	_ =	shalt  }
0x6b: {  	_ =	shalt  }
0x6c: {  	_ =	shalt  }
0x6d: {  	_ =	shalt  }
0x6e: {  	_ =	shalt  }
0x6f: {  	_ =	shalt  }
0x70: {  	_ =	shalt  }
0x71: {  	_ =	shalt  }
0x72: {  	_ =	shalt  }
0x73: {  	_ =	shalt  }
0x74: {  	_ =	shalt  }
0x75: {  	_ =	shalt  }
0x76: {  	_ =	shalt  }
0x77: {  	_ =	shalt  }
0x78: {  	_ =	shalt  }
0x79: {  	_ =	shalt  }
0x7a: {  	_ =	shalt  }
0x7b: {  	_ =	shalt  }
0x7c: {  	_ =	shalt  }
0x7d: {  	_ =	shalt  }
0x7e: {  	_ =	shalt  }
0x7f: {  	_ =	shalt  }
0x80: {  	_ =	shalt  }
0x81: {  	_ =	shalt  }
0x82: {  	_ =	shalt  }
0x83: {  	_ =	shalt  }
0x84: {  	_ =	shalt  }
0x85: {  	_ =	shalt  }
0x86: {  	_ =	shalt  }
0x87: {  	_ =	shalt  }
.Lfunc_end0:
.L_simem_size_0:
called_computation.1_lowered:
.L_overlay_start_0:
0x88: {  	s2 =	sld [smem:$0x3FD9]  }
0x89: {  	s3 =	sld [smem:$0x3FFE];
	_ =	sdelay $0x1  }
0x8a: {  	s1 =	srdreg.scid  }
0x8b: {  	s0 =	sand.u32 $0x1, s1  }
0x8c: {  	s16 =	sshll.u32 s0, $0xA;
	s2 =	sadd.s32 s3, s2  }
0x8d: {  	s2 =	sadd.s32 s2, s16  }
0x8e: {  	[smem:$0x3FC1] =	sst s2  }
0x8f: {  	_ = 	snop  }
0x90: {  	(tm) =	ssettm $0x1  }
0x91: {  	s17 =	sld [smem:$0x3FFB];
	_ =	sdelay $0x3  }
0x92: {  	_ =	strace s17  }
0x93: {  	s2 =	sld [smem:$0x3FFC];
	_ =	sdelay $0x3  }
0x94: {  	_ =	strace s2  }
0x95: {  	s2 =	sld [smem:$0x3FFD];
	_ =	sdelay $0x3  }
0x96: {  	_ =	strace s2  }
0x97: {  	_ =	strace $0x8FFFFFFF  }
0x98: {  	s18 =	sld [smem:$0x3FDB];
	_ =	sdelay $0x1  }
0x99: {  	s19 =	simm.s32 $_scs_section_size  }
0x9a: {  	s4 =	simm.s32 $_size__tile_overlayer_lowered;
	s5 =	simm.s32 $_tile_overlayer_lowered  }
0x9b: {  	s22 =	simm.s32 $0x1BFF;
	s21 =	sshll.u32 s5, $0x1;
	s2 =	sadd.s32 s19, s18  }
0x9c: {  	s6 =	simm.s32 $0x0;
	s20 =	sshll.u32 s4, $0x1;
	s4 =	sadd.s32 s21, s2  }
0x9d: {  	[timem:s6], [sflag:s22] =	dma.local [hbm:s4], s20  }
0x9e: {  	_ =	swait.ge [sflag:s22], s20  }
0x9f: {  	s3 =	ssub.s32 $0x0, s20;
	[sflag:s22] =	ssyncset.done $0x0  }
0xa0: {  	[sflag:s22] =	ssyncadd.s32 s3;
	_ =	sdelay $0x1  }
0xa1: {  	s23 =	simm.s32 $0x1B8B  }
0xa2: {  	_ =	swait.ge [sflag:s23], $0x1  }
0xa3: {  	[sflag:s23] =	ssyncset.done $0x0  }
0xa4: {  	s25 =	simm.s32 $0x1B8E;
	s24 =	sld [smem:$0x3FFE];
	[sflag:s23] =	ssyncadd.s32 $0xFFFFFFFF  }
0xa5: {  	s26 =	simm.s32 $execute0_lowered;
	[smem:$0x3FD2] =	sst s25  }
0xa6: {  	s4 =	sshll.u32 s26, $0x1;
	_ =	strace $0x8000004D;
	[dreg:$0x1] =	wrdreg $0xFFFFFFFF  }
0xa7: {  	s28 =	simm.s32 $_size_execute0_lowered;
	s2 =	sadd.s32 s2, s4;
	[dreg:$0x0] =	wrdreg $0x0  }
0xa8: {  	s4 =	sshll.u32 s28, $0x1;
	[dreg:$0x2] =	wrdreg s2  }
0xa9: {  	[dreg:$0x3] =	wrdreg s4  }
0xaa: {  	[dreg:$0x4] =	wrdreg $0xC0  }
0xab: {  	_ =	task [dreg:s6], $0x5FFFF  }
0xac: {  	[dreg:$0x1] =	wrdreg $0xFFFFFFFF  }
0xad: {  	[dreg:$0x0] =	wrdreg $0x60  }
0xae: {  	[dreg:$0x2] =	wrdreg s24  }
0xaf: {  	[dreg:$0x3] =	wrdreg $0x9  }
0xb0: {  	_ =	task.clear_ibuf [dreg:s6], $0x4FFFF;
	_ =	strace $0x9000004D  }
0xb1: {  	s29 =	simm.s32 $0x9;
	_ =	strace $0x80000050  }
0xb2: {  	_ =	swait.ge [sflag:s29], $0x1  }
0xb3: {  	[sflag:s29] =	ssyncadd.s32 $0xFFFFFFFF  }
0xb4: {  	_ =	strace $0x90000050  }
0xb5: {  	_ =	sfence  }
0xb6: {  	s30 =	sld [smem:$0x0];
	_ =	sdelay $0x2  }
0xb7: {  	s31 =	sshll.u32 s1, $0xD;
	s1 =	sshrl.u32 s1, $0x2  }
0xb8: {  	s3 =	sand.u32 $0x4000, s31;
	s1 =	sadd.s32 s1, s30  }
0xb9: {  	s0 =	sor.u32 s3, s0;
	s1 =	sshll.u32 s1, $0x11  }
0xba: {  	s0 =	sor.u32 s1, s0  }
0xbb: {  	s0 =	sadd.s32 $0x8F2B, s0  }
0xbc: {  	[sflag:s0] =	ssyncadd.remote.s32 $0x1  }
0xbd: {  	_ =	sfence.sel $0xFFFF  }
0xbe: {  	[dreg:$0x0] =	wrdreg $0xFFFFFFFF;
	(pc) =	sbr.abs _section_cstart, $3  }
0xbf: {  	[dreg:$0x1] =	wrdreg $0xFFFFFFFF  }
0xc0: {  	_ =	task.clear_ibuf [dreg:s6], $0x2FFFF;
	_ =	strace $0x9FFFFFFF  }
0xc1: {  	(tm) =	ssettm $0x7FFFFFFF  }
tec
execute0_lowered:
.L_overlay_start_1:
0x0: {  	(tag) =	ssettag $0x1  }
0x1: {  	s0 =	srdreg.scid;
	s5 =	rddreg [dreg:$0x0]  }
0x2: {  	s11 =	simm.s32 $0x2800;
	s12 =	simm.s32 $0x1400;
	s4 =	sand.u32 $0x1, s0  }
0x3: {  	s13 =	simm.s32 $0x80;
	s0 =	stileid.u32;
	s1 =	sshll.u32 s4, $0x4  }
0x4: {  	s14 =	simm.s32 $0x400;
	s15 =	simm.s32 $0x0;
	s2 =	sor.u32 s0, s1  }
0x5: {  	s7 =	sshll.u32 s0, $0x7;
	s30 =	ssub.s32 $0x2, s4;
	s6 =	sshrl.u32 s2, $0x3  }
0x6: {  	s4 =	sadd.s32 $0x33C00, s5;
	s1 =	rddreg [dreg:$0x1];
	s6 =	smul.u32 $0x14000, s6  }
0x7: {  	s7 =	sand.u32 $0x380, s7;
	s3 =	smul.u32 $0x280, s2;
	s2 =	simm.s32 $0x0  }
0x8: {  	s31 =	sshrl.u32 s30, $0x1;
	[smem:$0x7FF] =	sst s2;
	s6 =	sor.u32 s7, s6  }
0x9: {  	s10 =	ssub.s32 s30, s31;
	_ =	strace $0x8000004E;
	s6 =	sshrl.u32 s6, $0x3  }
0xa: {  	s8 =	sadd.s32 s3, s5;
	s3 =	sadd.s32 $0x36A00, s5;
	s9 =	sadd.s32 s6, s5  }
0xb: {  	s5 =	sadd.s32 $0x6A00, s8;
	s6 =	sadd.s32 $0x1800, s8;
	s8 =	smax.u32 s10, $0x1  }
0xc: {  	s10 =	simm.s32 $0x1;
	s7 =	sadd.s32 $0xBC00, s9;
	s9 =	simm.s32 $0x5000  }
.LBB2_1:
0xd: {  	[tilespmem:s9], [sflag:$0x1] =	stream.linear.gather [hbm4b:s4+s2], $0x2800, $0x38;
	[tilespmem:$0x7800] =	vst v63  }
0xe: {  	_ =	swait.ge [sflag:s10], $0x2800  }
0xf: {  	[sflag:s10] =	ssyncset.done $0x0  }
0x10: {  	[sflag:s10] =	ssyncadd.s32 $0xFFFFD800  }
0x11: {  	[tilespmem:s11], [sflag:$0x1] =	stream.linear.gather [hbm4b:s3+s2], $0x2800, $0x38;
	[tilespmem:$0x7800] =	vst v63  }
0x12: {  	_ =	swait.ge [sflag:s10], $0x2800  }
0x13: {  	[sflag:s10] =	ssyncset.done $0x0  }
0x14: {  	[sflag:s10] =	ssyncadd.s32 $0xFFFFD800  }
0x15: {  	[tilespmem:s2], [sflag:$0x1] =	stream.linear.gather [hbm4b:s5+s2], $0x1400, $0x38;
	[tilespmem:$0x7800] =	vst v63  }
0x16: {  	_ =	swait.ge [sflag:s10], $0x1400  }
0x17: {  	[sflag:s10] =	ssyncset.done $0x0  }
0x18: {  	[sflag:s10] =	ssyncadd.s32 $0xFFFFEC00  }
0x19: {  	[tilespmem:s12], [sflag:$0x1] =	stream.linear.gather [hbm4b:s6+s2], $0x1400, $0x38;
	[tilespmem:$0x7800] =	vst v63  }
0x1a: {  	_ =	swait.ge [sflag:s10], $0x1400  }
0x1b: {  	[sflag:s10] =	ssyncset.done $0x0  }
0x1c: {  	[sflag:s10] =	ssyncadd.s32 $0xFFFFEC00  }
0x1d: {  	s16 =	simm.s32 $0x0;
	_ =	strace $0x8000004F  }
.LBB2_2:
0x1e: {  	s17 =	sshra.s32 s16, $0x2  }
0x1f: {  	v0 =	vld [tilespmem:s17+$0x1400];
	_ =	sdelay $0x7  }
0x20: {  	v0 =	vld.idx.msk [tilespmem:v0+s11+$0x0], $0xffff;
	_ =	sdelay $0x4  }
0x21: {  	v0 =	vmax.f32 v0, $1.000000000e+00  }
0x22: {  	(erf) = vrcp.f32 v0;
	_ =	sdelay $0x1  }
0x23: {  	v49 =	vld [tilespmem:s17+$0x0];
	_ =	sdelay $0x6  }
0x24: {  	v1 =	vpop (erf)  }
0x25: {  	[tilespmem:v49+s9+$0x0] =	vst.idx.add.f32.msk $0xffff, v1  }
0x26: {  	v0 =	vld [tilespmem:s17+$0x1410];
	_ =	sdelay $0x7  }
0x27: {  	v0 =	vld.idx.msk [tilespmem:v0+s11+$0x0], $0xffff;
	_ =	sdelay $0x4  }
0x28: {  	v0 =	vmax.f32 v0, $1.000000000e+00  }
0x29: {  	(erf) = vrcp.f32 v0;
	_ =	sdelay $0x1  }
0x2a: {  	v50 =	vld [tilespmem:s17+$0x10];
	_ =	sdelay $0x6  }
0x2b: {  	v51 =	vpop (erf)  }
0x2c: {  	[tilespmem:v50+s9+$0x0] =	vst.idx.add.f32.msk $0xffff, v51  }
0x2d: {  	v0 =	vld [tilespmem:s17+$0x1420];
	_ =	sdelay $0x7  }
0x2e: {  	v0 =	vld.idx.msk [tilespmem:v0+s11+$0x0], $0xffff;
	_ =	sdelay $0x4  }
0x2f: {  	v0 =	vmax.f32 v0, $1.000000000e+00  }
0x30: {  	(erf) = vrcp.f32 v0;
	_ =	sdelay $0x1  }
0x31: {  	v52 =	vld [tilespmem:s17+$0x20];
	_ =	sdelay $0x6  }
0x32: {  	v53 =	vpop (erf)  }
0x33: {  	[tilespmem:v52+s9+$0x0] =	vst.idx.add.f32.msk $0xffff, v53  }
0x34: {  	v0 =	vld [tilespmem:s17+$0x1430];
	_ =	sdelay $0x7  }
0x35: {  	v0 =	vld.idx.msk [tilespmem:v0+s11+$0x0], $0xffff;
	_ =	sdelay $0x4  }
0x36: {  	v0 =	vmax.f32 v0, $1.000000000e+00  }
0x37: {  	(erf) = vrcp.f32 v0;
	_ =	sdelay $0x1  }
0x38: {  	v54 =	vld [tilespmem:s17+$0x30];
	_ =	sdelay $0x6  }
0x39: {  	v55 =	vpop (erf)  }
0x3a: {  	[tilespmem:v54+s9+$0x0] =	vst.idx.add.f32.msk $0xffff, v55  }
0x3b: {  	v0 =	vld [tilespmem:s17+$0x1440];
	_ =	sdelay $0x7  }
0x3c: {  	v0 =	vld.idx.msk [tilespmem:v0+s11+$0x0], $0xffff;
	_ =	sdelay $0x4  }
0x3d: {  	v0 =	vmax.f32 v0, $1.000000000e+00  }
0x3e: {  	(erf) = vrcp.f32 v0;
	_ =	sdelay $0x1  }
0x3f: {  	v56 =	vld [tilespmem:s17+$0x40];
	_ =	sdelay $0x6  }
0x40: {  	v57 =	vpop (erf)  }
0x41: {  	[tilespmem:v56+s9+$0x0] =	vst.idx.add.f32.msk $0xffff, v57  }
0x42: {  	v0 =	vld [tilespmem:s17+$0x1450];
	_ =	sdelay $0x7  }
0x43: {  	v0 =	vld.idx.msk [tilespmem:v0+s11+$0x0], $0xffff;
	_ =	sdelay $0x4  }
0x44: {  	v0 =	vmax.f32 v0, $1.000000000e+00  }
0x45: {  	(erf) = vrcp.f32 v0;
	_ =	sdelay $0x1  }
0x46: {  	v58 =	vld [tilespmem:s17+$0x50];
	_ =	sdelay $0x6  }
0x47: {  	v59 =	vpop (erf)  }
0x48: {  	[tilespmem:v58+s9+$0x0] =	vst.idx.add.f32.msk $0xffff, v59  }
0x49: {  	v0 =	vld [tilespmem:s17+$0x1460];
	_ =	sdelay $0x7  }
0x4a: {  	v0 =	vld.idx.msk [tilespmem:v0+s11+$0x0], $0xffff;
	_ =	sdelay $0x4  }
0x4b: {  	v0 =	vmax.f32 v0, $1.000000000e+00  }
0x4c: {  	(erf) = vrcp.f32 v0;
	_ =	sdelay $0x1  }
0x4d: {  	v60 =	vld [tilespmem:s17+$0x60];
	_ =	sdelay $0x6  }
0x4e: {  	v61 =	vpop (erf)  }
0x4f: {  	[tilespmem:v60+s9+$0x0] =	vst.idx.add.f32.msk $0xffff, v61  }
0x50: {  	v0 =	vld [tilespmem:s17+$0x1470];
	_ =	sdelay $0x7  }
0x51: {  	v0 =	vld.idx.msk [tilespmem:v0+s11+$0x0], $0xffff;
	_ =	sdelay $0x4  }
0x52: {  	v0 =	vmax.f32 v0, $1.000000000e+00  }
0x53: {  	(erf) = vrcp.f32 v0;
	_ =	sdelay $0x1  }
0x54: {  	v62 =	vld [tilespmem:s17+$0x70];
	_ =	sdelay $0x2  }
0x55: {  	p0 =	sne.s32 s16, $0x4E00  }
.Ltmp0:
0x56: {  	_ = 	snop;
	(pc) =	sbr.rel @p0 .LBB2_2-.Ltmp0, $3  }
0x57: {  	_ =	sdelay $0x1  }
0x58: {  	v63 =	vpop (erf)  }
0x59: {  	s16 =	sadd.s32 $0x200, s16;
	[tilespmem:v62+s9+$0x0] =	vst.idx.add.f32.msk $0xffff, v63  }
0x5a: {  	s15 =	sadd.s32 $0x1, s15  }
0x5b: {  	p0 =	sne.s32 s15, s8  }
.Ltmp1:
0x5c: {  	_ =	strace $0x9000004F;
	(pc) =	sbr.rel @p0 .LBB2_1-.Ltmp1, $4  }
0x5d: {  	[hbm4b:s7+s13] =	stream.strided.scatter [tilespmem:s9], [sflag:$0x1], $0x2800, s14, s13, $0x38;
	[tilespmem:$0x7800] =	vst v63  }
0x5e: {  	_ =	swait.ge [sflag:s10], $0x2800  }
0x5f: {  	[sflag:s10] =	ssyncset.done $0x0  }
0x60: {  	[sflag:s10] =	ssyncadd.s32 $0xFFFFD800  }
0x61: {  	_ =	sfence.sel $0x180000  }
0x62: {  	[bflag:$0x0] =	sbarrier.arrive $0xFFFF  }
0x63: {  	p0 =	sne.s32 s0, $0x0;
	_ =	strace $0x9000004E  }
0x64: {  	s0 =	sadd.s32 @!p0 $0x100000, s1;
	[bflag:$0x2] =	sbarrier.arrive $0xFFFF  }
0x65: {  	[sflag:s0] =	ssyncadd.tile.s32 @!p0 $0x1;
	_ =	shalt  }
.Lfunc_end2:
_tile_overlayer_lowered:
.L_overlay_start_2:
0x66: {  	(tag) =	ssettag $0x2  }
0x67: {  	s0 =	rddreg [dreg:$0x0];
	s2 =	stileid.u32  }
0x68: {  	s1 =	rddreg [dreg:$0x1];
	p0 =	sne.s32 s2, $0x0  }
0x69: {  	s3 =	rddreg [dreg:$0x2];
	[bflag:$0x3] =	sbarrier.arrive $0xFFFF;
	s2 =	simm.s32 @!p0 $0x1C01  }
0x6a: {  	[timem:s3], [sflag:s2] =	dma.local @!p0 [hbm:s0], s1  }
0x6b: {  	s0 =	simm.s32 @!p0 $0x1  }
0x6c: {  	_ =	swait.ge @!p0 [sflag:s0], s1  }
0x6d: {  	s1 =	ssub.s32 @!p0 $0x0, s1;
	[sflag:s0] =	ssyncset.done @!p0 $0x0  }
0x6e: {  	[sflag:s0] =	ssyncadd.s32 @!p0 s1  }
0x6f: {  	[bflag:$0x3] =	sbarrier.arrive $0xFFFF  }
0x70: {  	_ =	shalt  }

</sc_bundles>
